<compile_context>
chip_gen: v7x
topology: tpu7x:2x2x1
jax: 0.10.2.dev20260603
libtpu: 0.0.44.dev20260713+nightly
codegen_flags: <defaults>
</compile_context>

<pallas_src>
import jax
import jax.numpy as jnp
from jax import lax
from jax.experimental import pallas as pl
from jax.experimental.pallas import tpu as pltpu
from jax.experimental.pallas import tpu_sc as plsc

_BSZ, _SEQ, _D = 4, 8192, 2048
_NC, _NS, _L = 2, 16, 16
_NW = _NC * _NS
_ROWS_PER_W = _SEQ // _NW
_R = 8
_CHUNK = _R * _D
_N_CHUNKS = _ROWS_PER_W // _R
_N_STEPS = _N_CHUNKS * _BSZ
_UNROLL = 16


def _mul_chunk(o_v, x_v, p_v):
    @plsc.parallel_loop(0, _CHUNK, _L, unroll=_UNROLL)
    def body(i):
        sl = pl.ds(i, _L)
        o_v[sl] = x_v[sl] * p_v[sl]


def _sc_body(x_hbm, p_hbm, o_hbm,
             x0, x1, o0, o1, p0, p1,
             xs0, xs1, os0, os1, ps0, ps1):
    x_bufs, o_bufs, p_bufs = (x0, x1), (o0, o1), (p0, p1)
    x_sems, o_sems, p_sems = (xs0, xs1), (os0, os1), (ps0, ps1)
    wid = lax.axis_index("s") * _NC + lax.axis_index("c")
    row0 = wid * _ROWS_PER_W

    def p_off(i):
        return (row0 + i * _R) * _D

    def x_off(i, b):
        return b * (_SEQ * _D) + p_off(i)

    for k in range(2):
        pltpu.make_async_copy(
            p_hbm.at[pl.ds(p_off(k), _CHUNK)], p_bufs[k], p_sems[k]).start()
        pltpu.make_async_copy(
            x_hbm.at[pl.ds(x_off(0, k), _CHUNK)], x_bufs[k], x_sems[k]).start()

    def chunk_body(i2, carry):
        for ip in range(2):
            i = i2 * 2 + ip
            for b in range(_BSZ):
                k = b % 2
                g = i * _BSZ + b
                pltpu.make_async_copy(
                    x_hbm.at[pl.ds(0, _CHUNK)], x_bufs[k], x_sems[k]).wait()
                if b == 0:
                    pltpu.make_async_copy(
                        p_hbm.at[pl.ds(0, _CHUNK)], p_bufs[ip], p_sems[ip]).wait()

                @pl.when(g >= 2)
                def _():
                    pltpu.make_async_copy(
                        o_bufs[k], o_hbm.at[pl.ds(0, _CHUNK)], o_sems[k]).wait()

                _mul_chunk(o_bufs[k], x_bufs[k], p_bufs[ip])

                pltpu.make_async_copy(
                    o_bufs[k], o_hbm.at[pl.ds(x_off(i, b), _CHUNK)],
                    o_sems[k]).start()

                i_n = i + (b + 2) // _BSZ
                b_n = (b + 2) % _BSZ

                @pl.when(g + 2 < _N_STEPS)
                def _():
                    pltpu.make_async_copy(
                        x_hbm.at[pl.ds(x_off(i_n, b_n), _CHUNK)],
                        x_bufs[k], x_sems[k]).start()

            @pl.when(i + 2 < _N_CHUNKS)
            def _():
                pltpu.make_async_copy(
                    p_hbm.at[pl.ds(p_off(i + 2), _CHUNK)],
                    p_bufs[ip], p_sems[ip]).start()
        return carry

    lax.fori_loop(0, _N_CHUNKS // 2, chunk_body, 0)

    for k in range(2):
        pltpu.make_async_copy(
            o_bufs[k], o_hbm.at[pl.ds(0, _CHUNK)], o_sems[k]).wait()


def kernel(input_tensor, position_vectors):
    bsz, seq_len, d = input_tensor.shape
    x = input_tensor.reshape(bsz * seq_len * d)
    p = position_vectors[:seq_len, :d].reshape(seq_len * d)
    run = pl.kernel(
        _sc_body,
        out_type=jax.ShapeDtypeStruct((bsz * seq_len * d,), input_tensor.dtype),
        mesh=plsc.VectorSubcoreMesh(core_axis_name="c", subcore_axis_name="s"),
        scratch_types=(
            [pltpu.VMEM((_CHUNK,), jnp.float32) for _ in range(6)]
            + [pltpu.SemaphoreType.DMA for _ in range(6)]
        ),
    )
    return run(x, p).reshape(bsz, seq_len, d)

# --- scband reference (transcript-rebuilt; emitter-appended) ---
"""Pipeline reference for scband-time-series-elementwise-multiplication-positional-encoding-5377299055124 (READ-ONLY COPY).

The authoritative reference and input builder live on the scoring server;
editing this copy changes nothing except your own understanding.
"""

import jax, jax.numpy as jnp
import numpy as np

NUM_POSITIONS = 8192
EMBEDDING_DIM = 2048
BSZ = 4
SEQ_LEN = 8192


def setup_inputs(seed: int = 0) -> dict:
    key = jax.random.key(seed)
    k1, k2 = jax.random.split(key)
    input_tensor = jax.random.normal(k1, (BSZ, SEQ_LEN, EMBEDDING_DIM), dtype=jnp.float32)
    # bipolar (+1/-1) HDC position vectors, frozen (requires_grad=False in torch)
    position_vectors = (jax.random.randint(k2, (NUM_POSITIONS, EMBEDDING_DIM), 0, 2).astype(jnp.float32) * 2.0 - 1.0)
    return {"input_tensor": input_tensor, "position_vectors": position_vectors}


def reference(input_tensor, position_vectors):
    bsz, seq_len, input_size = input_tensor.shape
    embedding_dim = position_vectors.shape[1]
    positions = jnp.arange(0, seq_len, dtype=jnp.int64 if jax.config.jax_enable_x64 else jnp.int32)
    position_encodings = jnp.take(position_vectors, positions, axis=0)  # gather [seq_len, D]
    position_encodings = jnp.broadcast_to(position_encodings[None, :, :], (bsz, seq_len, embedding_dim))
    if input_size < embedding_dim:
        padding = jnp.zeros((bsz, seq_len, embedding_dim - input_size), dtype=input_tensor.dtype)
        projected = jnp.concatenate([input_tensor, padding], axis=-1)
    elif input_size > embedding_dim:
        projected = input_tensor[:, :, :embedding_dim]
    else:
        projected = input_tensor
    encoded = projected * position_encodings
    return encoded

if __name__ == "__main__":
    import jax
    _d = setup_inputs()
    print(jax.jit(kernel)(*tuple(_d.values())))

</pallas_src>

<mosaic_0001>
#map = affine_map<(d0, d1) -> (0)>
module attributes {stable_mosaic.version = 14 : i64} {
  func.func @_sc_body(%arg0: i32, %arg1: i32, %arg2: memref<67108864xf32, #tpu.memory_space<hbm>>, %arg3: memref<16777216xf32, #tpu.memory_space<hbm>>, %arg4: memref<67108864xf32, #tpu.memory_space<hbm>>, %arg5: memref<16384xf32, #tpu.memory_space<vmem>>, %arg6: memref<16384xf32, #tpu.memory_space<vmem>>, %arg7: memref<16384xf32, #tpu.memory_space<vmem>>, %arg8: memref<16384xf32, #tpu.memory_space<vmem>>, %arg9: memref<16384xf32, #tpu.memory_space<vmem>>, %arg10: memref<16384xf32, #tpu.memory_space<vmem>>, %arg11: memref<!tpu.dma_semaphore, #tpu.memory_space<semaphore_mem>>, %arg12: memref<!tpu.dma_semaphore, #tpu.memory_space<semaphore_mem>>, %arg13: memref<!tpu.dma_semaphore, #tpu.memory_space<semaphore_mem>>, %arg14: memref<!tpu.dma_semaphore, #tpu.memory_space<semaphore_mem>>, %arg15: memref<!tpu.dma_semaphore, #tpu.memory_space<semaphore_mem>>, %arg16: memref<!tpu.dma_semaphore, #tpu.memory_space<semaphore_mem>>) attributes {dimension_semantics = [#tpu.dimension_semantics<core_parallel>, #tpu.dimension_semantics<subcore_parallel>], iteration_bounds = array<i64: 2, 16>, scalar_prefetch = 0 : i64, scratch_operands = 12 : i64, tpu.core_type = #tpu.core_type<sc_vector_subcore>, window_params = [{transform_indices = #map}, {transform_indices = #map}, {transform_indices = #map}]} {
    %mul3A = arith.constant 2 : i32
    %mul3A_0 = arith.muli %arg1, %mul3A : i32
    %add3A = arith.addi %mul3A_0, %arg0 : i32
    %mul3A_1 = arith.constant 256 : i32
    %mul3A_2 = arith.muli %add3A, %mul3A_1 : i32
    %add3A_3 = arith.constant 0 : i32
    %add3A_4 = arith.addi %mul3A_2, %add3A_3 : i32
    %mul3A_5 = arith.constant 2048 : i32
    %mul3A_6 = arith.muli %add3A_4, %mul3A_5 : i32
    %dma_start3A = tpu.memref_slice %arg3[%mul3A_6] : memref<16777216xf32, #tpu.memory_space<hbm>> -> memref<16384xf32, #tpu.memory_space<hbm>>
    %dma_start3A_7 = tpu.memref_slice %arg3[%mul3A_6] : memref<16777216xf32, #tpu.memory_space<hbm>> -> memref<16384xf32, #tpu.memory_space<hbm>>
    tpu.enqueue_dma source(%dma_start3A_7 : memref<16384xf32, #tpu.memory_space<hbm>>) target(%arg9 : memref<16384xf32, #tpu.memory_space<vmem>>) target_semaphore(%arg15 : memref<!tpu.dma_semaphore, #tpu.memory_space<semaphore_mem>>)
    %add3A_8 = arith.constant 0 : i32
    %add3A_9 = arith.addi %mul3A_2, %add3A_8 : i32
    %mul3A_10 = arith.constant 2048 : i32
    %mul3A_11 = arith.muli %add3A_9, %mul3A_10 : i32
    %add3A_12 = arith.constant 0 : i32
    %add3A_13 = arith.addi %add3A_12, %mul3A_11 : i32
    %dma_start3A_14 = tpu.memref_slice %arg2[%add3A_13] : memref<67108864xf32, #tpu.memory_space<hbm>> -> memref<16384xf32, #tpu.memory_space<hbm>>
    %dma_start3A_15 = tpu.memref_slice %arg2[%add3A_13] : memref<67108864xf32, #tpu.memory_space<hbm>> -> memref<16384xf32, #tpu.memory_space<hbm>>
    tpu.enqueue_dma source(%dma_start3A_15 : memref<16384xf32, #tpu.memory_space<hbm>>) target(%arg5 : memref<16384xf32, #tpu.memory_space<vmem>>) target_semaphore(%arg11 : memref<!tpu.dma_semaphore, #tpu.memory_space<semaphore_mem>>)
    %add3A_16 = arith.constant 8 : i32
    %add3A_17 = arith.addi %mul3A_2, %add3A_16 : i32
    %mul3A_18 = arith.constant 2048 : i32
    %mul3A_19 = arith.muli %add3A_17, %mul3A_18 : i32
    %dma_start3A_20 = tpu.memref_slice %arg3[%mul3A_19] : memref<16777216xf32, #tpu.memory_space<hbm>> -> memref<16384xf32, #tpu.memory_space<hbm>>
    %dma_start3A_21 = tpu.memref_slice %arg3[%mul3A_19] : memref<16777216xf32, #tpu.memory_space<hbm>> -> memref<16384xf32, #tpu.memory_space<hbm>>
    tpu.enqueue_dma source(%dma_start3A_21 : memref<16384xf32, #tpu.memory_space<hbm>>) target(%arg10 : memref<16384xf32, #tpu.memory_space<vmem>>) target_semaphore(%arg16 : memref<!tpu.dma_semaphore, #tpu.memory_space<semaphore_mem>>)
    %add3A_22 = arith.constant 0 : i32
    %add3A_23 = arith.addi %mul3A_2, %add3A_22 : i32
    %mul3A_24 = arith.constant 2048 : i32
    %mul3A_25 = arith.muli %add3A_23, %mul3A_24 : i32
    %add3A_26 = arith.constant 16777216 : i32
    %add3A_27 = arith.addi %add3A_26, %mul3A_25 : i32
    %dma_start3A_28 = tpu.memref_slice %arg2[%add3A_27] : memref<67108864xf32, #tpu.memory_space<hbm>> -> memref<16384xf32, #tpu.memory_space<hbm>>
    %dma_start3A_29 = tpu.memref_slice %arg2[%add3A_27] : memref<67108864xf32, #tpu.memory_space<hbm>> -> memref<16384xf32, #tpu.memory_space<hbm>>
    tpu.enqueue_dma source(%dma_start3A_29 : memref<16384xf32, #tpu.memory_space<hbm>>) target(%arg6 : memref<16384xf32, #tpu.memory_space<vmem>>) target_semaphore(%arg12 : memref<!tpu.dma_semaphore, #tpu.memory_space<semaphore_mem>>)
    %scan3A = arith.constant 0 : i32
    %scan3A_30 = arith.constant 0 : i32
    %scan3A_31 = arith.constant 16 : i32
    %scan3A_32 = arith.addi %scan3A_30, %scan3A_31 : i32
    %scan3A_33 = arith.constant 1 : i32
    scf.for %scan3A_42 = %scan3A_30 to %scan3A_32 step %scan3A_33  : i32 {
      %mul3A_43 = arith.constant 2 : i32
      %mul3A_44 = arith.muli %scan3A_42, %mul3A_43 : i32
      %add3A_45 = arith.constant 0 : i32
      %add3A_46 = arith.addi %mul3A_44, %add3A_45 : i32
      %mul3A_47 = arith.constant 4 : i32
      %mul3A_48 = arith.muli %add3A_46, %mul3A_47 : i32
      %add3A_49 = arith.constant 0 : i32
      %add3A_50 = arith.addi %mul3A_48, %add3A_49 : i32
      %dma_wait3A_51 = arith.constant 0 : i32
      %dma_wait3A_52 = tpu.memref_slice %arg2[%dma_wait3A_51] : memref<67108864xf32, #tpu.memory_space<hbm>> -> memref<16384xf32, #tpu.memory_space<hbm>>
      %dma_wait3A_53 = arith.constant 0 : i32
      %dma_wait3A_54 = tpu.memref_slice %arg2[%dma_wait3A_53] : memref<67108864xf32, #tpu.memory_space<hbm>> -> memref<16384xf32, #tpu.memory_space<hbm>>
      tpu.wait_dma2 semaphore(%arg11 : memref<!tpu.dma_semaphore, #tpu.memory_space<semaphore_mem>>) src(%dma_wait3A_54 : memref<16384xf32, #tpu.memory_space<hbm>>) dst(%arg5 : memref<16384xf32, #tpu.memory_space<vmem>>)
      %dma_wait3A_55 = arith.constant 0 : i32
      %dma_wait3A_56 = tpu.memref_slice %arg3[%dma_wait3A_55] : memref<16777216xf32, #tpu.memory_space<hbm>> -> memref<16384xf32, #tpu.memory_space<hbm>>
      %dma_wait3A_57 = arith.constant 0 : i32
      %dma_wait3A_58 = tpu.memref_slice %arg3[%dma_wait3A_57] : memref<16777216xf32, #tpu.memory_space<hbm>> -> memref<16384xf32, #tpu.memory_space<hbm>>
      tpu.wait_dma2 semaphore(%arg15 : memref<!tpu.dma_semaphore, #tpu.memory_space<semaphore_mem>>) src(%dma_wait3A_58 : memref<16384xf32, #tpu.memory_space<hbm>>) dst(%arg9 : memref<16384xf32, #tpu.memory_space<vmem>>)
      %ge3A = arith.constant 2 : i32
      %ge3A_59 = arith.cmpi sge, %add3A_50, %ge3A : i32
      %convert_element_type3A = arith.extui %ge3A_59 : i1 to i32
      %cond3A = arith.constant 0 : i32
      %cond3A_60 = arith.cmpi ne, %convert_element_type3A, %cond3A : i32
      scf.if %cond3A_60 {
        %dma_wait3A_340 = arith.constant 0 : i32
        %dma_wait3A_341 = tpu.memref_slice %arg4[%dma_wait3A_340] : memref<67108864xf32, #tpu.memory_space<hbm>> -> memref<16384xf32, #tpu.memory_space<hbm>>
        %dma_wait3A_342 = arith.constant 0 : i32
        %dma_wait3A_343 = tpu.memref_slice %arg4[%dma_wait3A_342] : memref<67108864xf32, #tpu.memory_space<hbm>> -> memref<16384xf32, #tpu.memory_space<hbm>>
        tpu.wait_dma2 semaphore(%arg13 : memref<!tpu.dma_semaphore, #tpu.memory_space<semaphore_mem>>) src(%arg7 : memref<16384xf32, #tpu.memory_space<vmem>>) dst(%dma_wait3A_343 : memref<16384xf32, #tpu.memory_space<hbm>>)
      } else {
      }
      %parallel_loop3A = arith.constant 0 : i32
      %parallel_loop3A_61 = arith.constant 16384 : i32
      %parallel_loop3A_62 = arith.constant 16 : i32
      scf.for %parallel_loop3A_340 = %parallel_loop3A to %parallel_loop3A_61 step %parallel_loop3A_62  : i32 {
        %parallel_loop3A_341 = arith.index_cast %parallel_loop3A_340 : i32 to index
        %parallel_loop3A_342 = tpu.vector_load %arg5[%parallel_loop3A_341] {strides = array<i32>} : memref<16384xf32, #tpu.memory_space<vmem>>, vector<16xf32>,
        %parallel_loop3A_343 = vector.shape_cast %parallel_loop3A_342 : vector<16xf32> to vector<16xf32>
        %parallel_loop3A_344 = arith.index_cast %parallel_loop3A_340 : i32 to index
        %parallel_loop3A_345 = tpu.vector_load %arg9[%parallel_loop3A_344] {strides = array<i32>} : memref<16384xf32, #tpu.memory_space<vmem>>, vector<16xf32>,
        %parallel_loop3A_346 = vector.shape_cast %parallel_loop3A_345 : vector<16xf32> to vector<16xf32>
        %parallel_loop3A_347 = arith.mulf %parallel_loop3A_343, %parallel_loop3A_346 : vector<16xf32>
        %parallel_loop3A_348 = arith.index_cast %parallel_loop3A_340 : i32 to index
        %parallel_loop3A_349 = tpu.vector_load %arg7[%parallel_loop3A_348] {strides = array<i32>} : memref<16384xf32, #tpu.memory_space<vmem>>, vector<16xf32>,
        %parallel_loop3A_350 = vector.shape_cast %parallel_loop3A_349 : vector<16xf32> to vector<16xf32>
        %parallel_loop3A_351 = vector.shape_cast %parallel_loop3A_347 : vector<16xf32> to vector<16xf32>
        tpu.vector_store %arg7[%parallel_loop3A_348], %parallel_loop3A_351 {strides = array<i32>} : memref<16384xf32, #tpu.memory_space<vmem>>, vector<16xf32>,
      } {sc.loop_unroll_factor = 16 : i64, sc.parallel_access}
      %mul3A_63 = arith.constant 8 : i32
      %mul3A_64 = arith.muli %add3A_46, %mul3A_63 : i32
      %add3A_65 = arith.addi %mul3A_2, %mul3A_64 : i32
      %mul3A_66 = arith.constant 2048 : i32
      %mul3A_67 = arith.muli %add3A_65, %mul3A_66 : i32
      %add3A_68 = arith.constant 0 : i32
      %add3A_69 = arith.addi %add3A_68, %mul3A_67 : i32
      %dma_start3A_70 = tpu.memref_slice %arg4[%add3A_69] : memref<67108864xf32, #tpu.memory_space<hbm>> -> memref<16384xf32, #tpu.memory_space<hbm>>
      %dma_start3A_71 = tpu.memref_slice %arg4[%add3A_69] : memref<67108864xf32, #tpu.memory_space<hbm>> -> memref<16384xf32, #tpu.memory_space<hbm>>
      tpu.enqueue_dma source(%arg7 : memref<16384xf32, #tpu.memory_space<vmem>>) target(%dma_start3A_71 : memref<16384xf32, #tpu.memory_space<hbm>>) target_semaphore(%arg13 : memref<!tpu.dma_semaphore, #tpu.memory_space<semaphore_mem>>)
      %add3A_72 = arith.constant 0 : i32
      %add3A_73 = arith.addi %add3A_46, %add3A_72 : i32
      %add3A_74 = arith.constant 2 : i32
      %add3A_75 = arith.addi %add3A_50, %add3A_74 : i32
      %lt3A = arith.constant 128 : i32
      %lt3A_76 = arith.cmpi slt, %add3A_75, %lt3A : i32
      %convert_element_type3A_77 = arith.extui %lt3A_76 : i1 to i32
      %cond3A_78 = arith.constant 0 : i32
      %cond3A_79 = arith.cmpi ne, %convert_element_type3A_77, %cond3A_78 : i32
      scf.if %cond3A_79 {
        %mul3A_340 = arith.constant 8 : i32
        %mul3A_341 = arith.muli %add3A_73, %mul3A_340 : i32
        %add3A_342 = arith.addi %mul3A_2, %mul3A_341 : i32
        %mul3A_343 = arith.constant 2048 : i32
        %mul3A_344 = arith.muli %add3A_342, %mul3A_343 : i32
        %add3A_345 = arith.constant 33554432 : i32
        %add3A_346 = arith.addi %add3A_345, %mul3A_344 : i32
        %dma_start3A_347 = tpu.memref_slice %arg2[%add3A_346] : memref<67108864xf32, #tpu.memory_space<hbm>> -> memref<16384xf32, #tpu.memory_space<hbm>>
        %dma_start3A_348 = tpu.memref_slice %arg2[%add3A_346] : memref<67108864xf32, #tpu.memory_space<hbm>> -> memref<16384xf32, #tpu.memory_space<hbm>>
        tpu.enqueue_dma source(%dma_start3A_348 : memref<16384xf32, #tpu.memory_space<hbm>>) target(%arg5 : memref<16384xf32, #tpu.memory_space<vmem>>) target_semaphore(%arg11 : memref<!tpu.dma_semaphore, #tpu.memory_space<semaphore_mem>>)
      } else {
      }
      %mul3A_80 = arith.constant 4 : i32
      %mul3A_81 = arith.muli %add3A_46, %mul3A_80 : i32
      %add3A_82 = arith.constant 1 : i32
      %add3A_83 = arith.addi %mul3A_81, %add3A_82 : i32
      %dma_wait3A_84 = arith.constant 0 : i32
      %dma_wait3A_85 = tpu.memref_slice %arg2[%dma_wait3A_84] : memref<67108864xf32, #tpu.memory_space<hbm>> -> memref<16384xf32, #tpu.memory_space<hbm>>
      %dma_wait3A_86 = arith.constant 0 : i32
      %dma_wait3A_87 = tpu.memref_slice %arg2[%dma_wait3A_86] : memref<67108864xf32, #tpu.memory_space<hbm>> -> memref<16384xf32, #tpu.memory_space<hbm>>
      tpu.wait_dma2 semaphore(%arg12 : memref<!tpu.dma_semaphore, #tpu.memory_space<semaphore_mem>>) src(%dma_wait3A_87 : memref<16384xf32, #tpu.memory_space<hbm>>) dst(%arg6 : memref<16384xf32, #tpu.memory_space<vmem>>)
      %ge3A_88 = arith.constant 2 : i32
      %ge3A_89 = arith.cmpi sge, %add3A_83, %ge3A_88 : i32
      %convert_element_type3A_90 = arith.extui %ge3A_89 : i1 to i32
      %cond3A_91 = arith.constant 0 : i32
      %cond3A_92 = arith.cmpi ne, %convert_element_type3A_90, %cond3A_91 : i32
      scf.if %cond3A_92 {
        %dma_wait3A_340 = arith.constant 0 : i32
        %dma_wait3A_341 = tpu.memref_slice %arg4[%dma_wait3A_340] : memref<67108864xf32, #tpu.memory_space<hbm>> -> memref<16384xf32, #tpu.memory_space<hbm>>
        %dma_wait3A_342 = arith.constant 0 : i32
        %dma_wait3A_343 = tpu.memref_slice %arg4[%dma_wait3A_342] : memref<67108864xf32, #tpu.memory_space<hbm>> -> memref<16384xf32, #tpu.memory_space<hbm>>
        tpu.wait_dma2 semaphore(%arg14 : memref<!tpu.dma_semaphore, #tpu.memory_space<semaphore_mem>>) src(%arg8 : memref<16384xf32, #tpu.memory_space<vmem>>) dst(%dma_wait3A_343 : memref<16384xf32, #tpu.memory_space<hbm>>)
      } else {
      }
      %parallel_loop3A_93 = arith.constant 0 : i32
      %parallel_loop3A_94 = arith.constant 16384 : i32
      %parallel_loop3A_95 = arith.constant 16 : i32
      scf.for %parallel_loop3A_340 = %parallel_loop3A_93 to %parallel_loop3A_94 step %parallel_loop3A_95  : i32 {
        %parallel_loop3A_341 = arith.index_cast %parallel_loop3A_340 : i32 to index
        %parallel_loop3A_342 = tpu.vector_load %arg6[%parallel_loop3A_341] {strides = array<i32>} : memref<16384xf32, #tpu.memory_space<vmem>>, vector<16xf32>,
        %parallel_loop3A_343 = vector.shape_cast %parallel_loop3A_342 : vector<16xf32> to vector<16xf32>
        %parallel_loop3A_344 = arith.index_cast %parallel_loop3A_340 : i32 to index
        %parallel_loop3A_345 = tpu.vector_load %arg9[%parallel_loop3A_344] {strides = array<i32>} : memref<16384xf32, #tpu.memory_space<vmem>>, vector<16xf32>,
        %parallel_loop3A_346 = vector.shape_cast %parallel_loop3A_345 : vector<16xf32> to vector<16xf32>
        %parallel_loop3A_347 = arith.mulf %parallel_loop3A_343, %parallel_loop3A_346 : vector<16xf32>
        %parallel_loop3A_348 = arith.index_cast %parallel_loop3A_340 : i32 to index
        %parallel_loop3A_349 = tpu.vector_load %arg8[%parallel_loop3A_348] {strides = array<i32>} : memref<16384xf32, #tpu.memory_space<vmem>>, vector<16xf32>,
        %parallel_loop3A_350 = vector.shape_cast %parallel_loop3A_349 : vector<16xf32> to vector<16xf32>
        %parallel_loop3A_351 = vector.shape_cast %parallel_loop3A_347 : vector<16xf32> to vector<16xf32>
        tpu.vector_store %arg8[%parallel_loop3A_348], %parallel_loop3A_351 {strides = array<i32>} : memref<16384xf32, #tpu.memory_space<vmem>>, vector<16xf32>,
      } {sc.loop_unroll_factor = 16 : i64, sc.parallel_access}
      %mul3A_96 = arith.constant 8 : i32
      %mul3A_97 = arith.muli %add3A_46, %mul3A_96 : i32
      %add3A_98 = arith.addi %mul3A_2, %mul3A_97 : i32
      %mul3A_99 = arith.constant 2048 : i32
      %mul3A_100 = arith.muli %add3A_98, %mul3A_99 : i32
      %add3A_101 = arith.constant 16777216 : i32
      %add3A_102 = arith.addi %add3A_101, %mul3A_100 : i32
      %dma_start3A_103 = tpu.memref_slice %arg4[%add3A_102] : memref<67108864xf32, #tpu.memory_space<hbm>> -> memref<16384xf32, #tpu.memory_space<hbm>>
      %dma_start3A_104 = tpu.memref_slice %arg4[%add3A_102] : memref<67108864xf32, #tpu.memory_space<hbm>> -> memref<16384xf32, #tpu.memory_space<hbm>>
      tpu.enqueue_dma source(%arg8 : memref<16384xf32, #tpu.memory_space<vmem>>) target(%dma_start3A_104 : memref<16384xf32, #tpu.memory_space<hbm>>) target_semaphore(%arg14 : memref<!tpu.dma_semaphore, #tpu.memory_space<semaphore_mem>>)
      %add3A_105 = arith.constant 0 : i32
      %add3A_106 = arith.addi %add3A_46, %add3A_105 : i32
      %add3A_107 = arith.constant 2 : i32
      %add3A_108 = arith.addi %add3A_83, %add3A_107 : i32
      %lt3A_109 = arith.constant 128 : i32
      %lt3A_110 = arith.cmpi slt, %add3A_108, %lt3A_109 : i32
      %convert_element_type3A_111 = arith.extui %lt3A_110 : i1 to i32
      %cond3A_112 = arith.constant 0 : i32
      %cond3A_113 = arith.cmpi ne, %convert_element_type3A_111, %cond3A_112 : i32
      scf.if %cond3A_113 {
        %mul3A_340 = arith.constant 8 : i32
        %mul3A_341 = arith.muli %add3A_106, %mul3A_340 : i32
        %add3A_342 = arith.addi %mul3A_2, %mul3A_341 : i32
        %mul3A_343 = arith.constant 2048 : i32
        %mul3A_344 = arith.muli %add3A_342, %mul3A_343 : i32
        %add3A_345 = arith.constant 50331648 : i32
        %add3A_346 = arith.addi %add3A_345, %mul3A_344 : i32
        %dma_start3A_347 = tpu.memref_slice %arg2[%add3A_346] : memref<67108864xf32, #tpu.memory_space<hbm>> -> memref<16384xf32, #tpu.memory_space<hbm>>
        %dma_start3A_348 = tpu.memref_slice %arg2[%add3A_346] : memref<67108864xf32, #tpu.memory_space<hbm>> -> memref<16384xf32, #tpu.memory_space<hbm>>
        tpu.enqueue_dma source(%dma_start3A_348 : memref<16384xf32, #tpu.memory_space<hbm>>) target(%arg6 : memref<16384xf32, #tpu.memory_space<vmem>>) target_semaphore(%arg12 : memref<!tpu.dma_semaphore, #tpu.memory_space<semaphore_mem>>)
      } else {
      }
      %mul3A_114 = arith.constant 4 : i32
      %mul3A_115 = arith.muli %add3A_46, %mul3A_114 : i32
      %add3A_116 = arith.constant 2 : i32
      %add3A_117 = arith.addi %mul3A_115, %add3A_116 : i32
      %dma_wait3A_118 = arith.constant 0 : i32
      %dma_wait3A_119 = tpu.memref_slice %arg2[%dma_wait3A_118] : memref<67108864xf32, #tpu.memory_space<hbm>> -> memref<16384xf32, #tpu.memory_space<hbm>>
      %dma_wait3A_120 = arith.constant 0 : i32
      %dma_wait3A_121 = tpu.memref_slice %arg2[%dma_wait3A_120] : memref<67108864xf32, #tpu.memory_space<hbm>> -> memref<16384xf32, #tpu.memory_space<hbm>>
      tpu.wait_dma2 semaphore(%arg11 : memref<!tpu.dma_semaphore, #tpu.memory_space<semaphore_mem>>) src(%dma_wait3A_121 : memref<16384xf32, #tpu.memory_space<hbm>>) dst(%arg5 : memref<16384xf32, #tpu.memory_space<vmem>>)
      %ge3A_122 = arith.constant 2 : i32
      %ge3A_123 = arith.cmpi sge, %add3A_117, %ge3A_122 : i32
      %convert_element_type3A_124 = arith.extui %ge3A_123 : i1 to i32
      %cond3A_125 = arith.constant 0 : i32
      %cond3A_126 = arith.cmpi ne, %convert_element_type3A_124, %cond3A_125 : i32
      scf.if %cond3A_126 {
        %dma_wait3A_340 = arith.constant 0 : i32
        %dma_wait3A_341 = tpu.memref_slice %arg4[%dma_wait3A_340] : memref<67108864xf32, #tpu.memory_space<hbm>> -> memref<16384xf32, #tpu.memory_space<hbm>>
        %dma_wait3A_342 = arith.constant 0 : i32
        %dma_wait3A_343 = tpu.memref_slice %arg4[%dma_wait3A_342] : memref<67108864xf32, #tpu.memory_space<hbm>> -> memref<16384xf32, #tpu.memory_space<hbm>>
        tpu.wait_dma2 semaphore(%arg13 : memref<!tpu.dma_semaphore, #tpu.memory_space<semaphore_mem>>) src(%arg7 : memref<16384xf32, #tpu.memory_space<vmem>>) dst(%dma_wait3A_343 : memref<16384xf32, #tpu.memory_space<hbm>>)
      } else {
      }
      %parallel_loop3A_127 = arith.constant 0 : i32
      %parallel_loop3A_128 = arith.constant 16384 : i32
      %parallel_loop3A_129 = arith.constant 16 : i32
      scf.for %parallel_loop3A_340 = %parallel_loop3A_127 to %parallel_loop3A_128 step %parallel_loop3A_129  : i32 {
        %parallel_loop3A_341 = arith.index_cast %parallel_loop3A_340 : i32 to index
        %parallel_loop3A_342 = tpu.vector_load %arg5[%parallel_loop3A_341] {strides = array<i32>} : memref<16384xf32, #tpu.memory_space<vmem>>, vector<16xf32>,
        %parallel_loop3A_343 = vector.shape_cast %parallel_loop3A_342 : vector<16xf32> to vector<16xf32>
        %parallel_loop3A_344 = arith.index_cast %parallel_loop3A_340 : i32 to index
        %parallel_loop3A_345 = tpu.vector_load %arg9[%parallel_loop3A_344] {strides = array<i32>} : memref<16384xf32, #tpu.memory_space<vmem>>, vector<16xf32>,
        %parallel_loop3A_346 = vector.shape_cast %parallel_loop3A_345 : vector<16xf32> to vector<16xf32>
        %parallel_loop3A_347 = arith.mulf %parallel_loop3A_343, %parallel_loop3A_346 : vector<16xf32>
        %parallel_loop3A_348 = arith.index_cast %parallel_loop3A_340 : i32 to index
        %parallel_loop3A_349 = tpu.vector_load %arg7[%parallel_loop3A_348] {strides = array<i32>} : memref<16384xf32, #tpu.memory_space<vmem>>, vector<16xf32>,
        %parallel_loop3A_350 = vector.shape_cast %parallel_loop3A_349 : vector<16xf32> to vector<16xf32>
        %parallel_loop3A_351 = vector.shape_cast %parallel_loop3A_347 : vector<16xf32> to vector<16xf32>
        tpu.vector_store %arg7[%parallel_loop3A_348], %parallel_loop3A_351 {strides = array<i32>} : memref<16384xf32, #tpu.memory_space<vmem>>, vector<16xf32>,
      } {sc.loop_unroll_factor = 16 : i64, sc.parallel_access}
      %mul3A_130 = arith.constant 8 : i32
      %mul3A_131 = arith.muli %add3A_46, %mul3A_130 : i32
      %add3A_132 = arith.addi %mul3A_2, %mul3A_131 : i32
      %mul3A_133 = arith.constant 2048 : i32
      %mul3A_134 = arith.muli %add3A_132, %mul3A_133 : i32
      %add3A_135 = arith.constant 33554432 : i32
      %add3A_136 = arith.addi %add3A_135, %mul3A_134 : i32
      %dma_start3A_137 = tpu.memref_slice %arg4[%add3A_136] : memref<67108864xf32, #tpu.memory_space<hbm>> -> memref<16384xf32, #tpu.memory_space<hbm>>
      %dma_start3A_138 = tpu.memref_slice %arg4[%add3A_136] : memref<67108864xf32, #tpu.memory_space<hbm>> -> memref<16384xf32, #tpu.memory_space<hbm>>
      tpu.enqueue_dma source(%arg7 : memref<16384xf32, #tpu.memory_space<vmem>>) target(%dma_start3A_138 : memref<16384xf32, #tpu.memory_space<hbm>>) target_semaphore(%arg13 : memref<!tpu.dma_semaphore, #tpu.memory_space<semaphore_mem>>)
      %add3A_139 = arith.constant 1 : i32
      %add3A_140 = arith.addi %add3A_46, %add3A_139 : i32
      %add3A_141 = arith.constant 2 : i32
      %add3A_142 = arith.addi %add3A_117, %add3A_141 : i32
      %lt3A_143 = arith.constant 128 : i32
      %lt3A_144 = arith.cmpi slt, %add3A_142, %lt3A_143 : i32
      %convert_element_type3A_145 = arith.extui %lt3A_144 : i1 to i32
      %cond3A_146 = arith.constant 0 : i32
      %cond3A_147 = arith.cmpi ne, %convert_element_type3A_145, %cond3A_146 : i32
      scf.if %cond3A_147 {
        %mul3A_340 = arith.constant 8 : i32
        %mul3A_341 = arith.muli %add3A_140, %mul3A_340 : i32
        %add3A_342 = arith.addi %mul3A_2, %mul3A_341 : i32
        %mul3A_343 = arith.constant 2048 : i32
        %mul3A_344 = arith.muli %add3A_342, %mul3A_343 : i32
        %add3A_345 = arith.constant 0 : i32
        %add3A_346 = arith.addi %add3A_345, %mul3A_344 : i32
        %dma_start3A_347 = tpu.memref_slice %arg2[%add3A_346] : memref<67108864xf32, #tpu.memory_space<hbm>> -> memref<16384xf32, #tpu.memory_space<hbm>>
        %dma_start3A_348 = tpu.memref_slice %arg2[%add3A_346] : memref<67108864xf32, #tpu.memory_space<hbm>> -> memref<16384xf32, #tpu.memory_space<hbm>>
        tpu.enqueue_dma source(%dma_start3A_348 : memref<16384xf32, #tpu.memory_space<hbm>>) target(%arg5 : memref<16384xf32, #tpu.memory_space<vmem>>) target_semaphore(%arg11 : memref<!tpu.dma_semaphore, #tpu.memory_space<semaphore_mem>>)
      } else {
      }
      %mul3A_148 = arith.constant 4 : i32
      %mul3A_149 = arith.muli %add3A_46, %mul3A_148 : i32
      %add3A_150 = arith.constant 3 : i32
      %add3A_151 = arith.addi %mul3A_149, %add3A_150 : i32
      %dma_wait3A_152 = arith.constant 0 : i32
      %dma_wait3A_153 = tpu.memref_slice %arg2[%dma_wait3A_152] : memref<67108864xf32, #tpu.memory_space<hbm>> -> memref<16384xf32, #tpu.memory_space<hbm>>
      %dma_wait3A_154 = arith.constant 0 : i32
      %dma_wait3A_155 = tpu.memref_slice %arg2[%dma_wait3A_154] : memref<67108864xf32, #tpu.memory_space<hbm>> -> memref<16384xf32, #tpu.memory_space<hbm>>
      tpu.wait_dma2 semaphore(%arg12 : memref<!tpu.dma_semaphore, #tpu.memory_space<semaphore_mem>>) src(%dma_wait3A_155 : memref<16384xf32, #tpu.memory_space<hbm>>) dst(%arg6 : memref<16384xf32, #tpu.memory_space<vmem>>)
      %ge3A_156 = arith.constant 2 : i32
      %ge3A_157 = arith.cmpi sge, %add3A_151, %ge3A_156 : i32
      %convert_element_type3A_158 = arith.extui %ge3A_157 : i1 to i32
      %cond3A_159 = arith.constant 0 : i32
      %cond3A_160 = arith.cmpi ne, %convert_element_type3A_158, %cond3A_159 : i32
      scf.if %cond3A_160 {
        %dma_wait3A_340 = arith.constant 0 : i32
        %dma_wait3A_341 = tpu.memref_slice %arg4[%dma_wait3A_340] : memref<67108864xf32, #tpu.memory_space<hbm>> -> memref<16384xf32, #tpu.memory_space<hbm>>
        %dma_wait3A_342 = arith.constant 0 : i32
        %dma_wait3A_343 = tpu.memref_slice %arg4[%dma_wait3A_342] : memref<67108864xf32, #tpu.memory_space<hbm>> -> memref<16384xf32, #tpu.memory_space<hbm>>
        tpu.wait_dma2 semaphore(%arg14 : memref<!tpu.dma_semaphore, #tpu.memory_space<semaphore_mem>>) src(%arg8 : memref<16384xf32, #tpu.memory_space<vmem>>) dst(%dma_wait3A_343 : memref<16384xf32, #tpu.memory_space<hbm>>)
      } else {
      }
      %parallel_loop3A_161 = arith.constant 0 : i32
      %parallel_loop3A_162 = arith.constant 16384 : i32
      %parallel_loop3A_163 = arith.constant 16 : i32
      scf.for %parallel_loop3A_340 = %parallel_loop3A_161 to %parallel_loop3A_162 step %parallel_loop3A_163  : i32 {
        %parallel_loop3A_341 = arith.index_cast %parallel_loop3A_340 : i32 to index
        %parallel_loop3A_342 = tpu.vector_load %arg6[%parallel_loop3A_341] {strides = array<i32>} : memref<16384xf32, #tpu.memory_space<vmem>>, vector<16xf32>,
        %parallel_loop3A_343 = vector.shape_cast %parallel_loop3A_342 : vector<16xf32> to vector<16xf32>
        %parallel_loop3A_344 = arith.index_cast %parallel_loop3A_340 : i32 to index
        %parallel_loop3A_345 = tpu.vector_load %arg9[%parallel_loop3A_344] {strides = array<i32>} : memref<16384xf32, #tpu.memory_space<vmem>>, vector<16xf32>,
        %parallel_loop3A_346 = vector.shape_cast %parallel_loop3A_345 : vector<16xf32> to vector<16xf32>
        %parallel_loop3A_347 = arith.mulf %parallel_loop3A_343, %parallel_loop3A_346 : vector<16xf32>
        %parallel_loop3A_348 = arith.index_cast %parallel_loop3A_340 : i32 to index
        %parallel_loop3A_349 = tpu.vector_load %arg8[%parallel_loop3A_348] {strides = array<i32>} : memref<16384xf32, #tpu.memory_space<vmem>>, vector<16xf32>,
        %parallel_loop3A_350 = vector.shape_cast %parallel_loop3A_349 : vector<16xf32> to vector<16xf32>
        %parallel_loop3A_351 = vector.shape_cast %parallel_loop3A_347 : vector<16xf32> to vector<16xf32>
        tpu.vector_store %arg8[%parallel_loop3A_348], %parallel_loop3A_351 {strides = array<i32>} : memref<16384xf32, #tpu.memory_space<vmem>>, vector<16xf32>,
      } {sc.loop_unroll_factor = 16 : i64, sc.parallel_access}
      %mul3A_164 = arith.constant 8 : i32
      %mul3A_165 = arith.muli %add3A_46, %mul3A_164 : i32
      %add3A_166 = arith.addi %mul3A_2, %mul3A_165 : i32
      %mul3A_167 = arith.constant 2048 : i32
      %mul3A_168 = arith.muli %add3A_166, %mul3A_167 : i32
      %add3A_169 = arith.constant 50331648 : i32
      %add3A_170 = arith.addi %add3A_169, %mul3A_168 : i32
      %dma_start3A_171 = tpu.memref_slice %arg4[%add3A_170] : memref<67108864xf32, #tpu.memory_space<hbm>> -> memref<16384xf32, #tpu.memory_space<hbm>>
      %dma_start3A_172 = tpu.memref_slice %arg4[%add3A_170] : memref<67108864xf32, #tpu.memory_space<hbm>> -> memref<16384xf32, #tpu.memory_space<hbm>>
      tpu.enqueue_dma source(%arg8 : memref<16384xf32, #tpu.memory_space<vmem>>) target(%dma_start3A_172 : memref<16384xf32, #tpu.memory_space<hbm>>) target_semaphore(%arg14 : memref<!tpu.dma_semaphore, #tpu.memory_space<semaphore_mem>>)
      %add3A_173 = arith.constant 1 : i32
      %add3A_174 = arith.addi %add3A_46, %add3A_173 : i32
      %add3A_175 = arith.constant 2 : i32
      %add3A_176 = arith.addi %add3A_151, %add3A_175 : i32
      %lt3A_177 = arith.constant 128 : i32
      %lt3A_178 = arith.cmpi slt, %add3A_176, %lt3A_177 : i32
      %convert_element_type3A_179 = arith.extui %lt3A_178 : i1 to i32
      %cond3A_180 = arith.constant 0 : i32
      %cond3A_181 = arith.cmpi ne, %convert_element_type3A_179, %cond3A_180 : i32
      scf.if %cond3A_181 {
        %mul3A_340 = arith.constant 8 : i32
        %mul3A_341 = arith.muli %add3A_174, %mul3A_340 : i32
        %add3A_342 = arith.addi %mul3A_2, %mul3A_341 : i32
        %mul3A_343 = arith.constant 2048 : i32
        %mul3A_344 = arith.muli %add3A_342, %mul3A_343 : i32
        %add3A_345 = arith.constant 16777216 : i32
        %add3A_346 = arith.addi %add3A_345, %mul3A_344 : i32
        %dma_start3A_347 = tpu.memref_slice %arg2[%add3A_346] : memref<67108864xf32, #tpu.memory_space<hbm>> -> memref<16384xf32, #tpu.memory_space<hbm>>
        %dma_start3A_348 = tpu.memref_slice %arg2[%add3A_346] : memref<67108864xf32, #tpu.memory_space<hbm>> -> memref<16384xf32, #tpu.memory_space<hbm>>
        tpu.enqueue_dma source(%dma_start3A_348 : memref<16384xf32, #tpu.memory_space<hbm>>) target(%arg6 : memref<16384xf32, #tpu.memory_space<vmem>>) target_semaphore(%arg12 : memref<!tpu.dma_semaphore, #tpu.memory_space<semaphore_mem>>)
      } else {
      }
      %add3A_182 = arith.constant 2 : i32
      %add3A_183 = arith.addi %add3A_46, %add3A_182 : i32
      %lt3A_184 = arith.constant 32 : i32
      %lt3A_185 = arith.cmpi slt, %add3A_183, %lt3A_184 : i32
      %convert_element_type3A_186 = arith.extui %lt3A_185 : i1 to i32
      %cond3A_187 = arith.constant 0 : i32
      %cond3A_188 = arith.cmpi ne, %convert_element_type3A_186, %cond3A_187 : i32
      scf.if %cond3A_188 {
        %add3A_340 = arith.constant 2 : i32
        %add3A_341 = arith.addi %add3A_46, %add3A_340 : i32
        %mul3A_342 = arith.constant 8 : i32
        %mul3A_343 = arith.muli %add3A_341, %mul3A_342 : i32
        %add3A_344 = arith.addi %mul3A_2, %mul3A_343 : i32
        %mul3A_345 = arith.constant 2048 : i32
        %mul3A_346 = arith.muli %add3A_344, %mul3A_345 : i32
        %dma_start3A_347 = tpu.memref_slice %arg3[%mul3A_346] : memref<16777216xf32, #tpu.memory_space<hbm>> -> memref<16384xf32, #tpu.memory_space<hbm>>
        %dma_start3A_348 = tpu.memref_slice %arg3[%mul3A_346] : memref<16777216xf32, #tpu.memory_space<hbm>> -> memref<16384xf32, #tpu.memory_space<hbm>>
        tpu.enqueue_dma source(%dma_start3A_348 : memref<16384xf32, #tpu.memory_space<hbm>>) target(%arg9 : memref<16384xf32, #tpu.memory_space<vmem>>) target_semaphore(%arg15 : memref<!tpu.dma_semaphore, #tpu.memory_space<semaphore_mem>>)
      } else {
      }
      %mul3A_189 = arith.constant 2 : i32
      %mul3A_190 = arith.muli %scan3A_42, %mul3A_189 : i32
      %add3A_191 = arith.constant 1 : i32
      %add3A_192 = arith.addi %mul3A_190, %add3A_191 : i32
      %mul3A_193 = arith.constant 4 : i32
      %mul3A_194 = arith.muli %add3A_192, %mul3A_193 : i32
      %add3A_195 = arith.constant 0 : i32
      %add3A_196 = arith.addi %mul3A_194, %add3A_195 : i32
      %dma_wait3A_197 = arith.constant 0 : i32
      %dma_wait3A_198 = tpu.memref_slice %arg2[%dma_wait3A_197] : memref<67108864xf32, #tpu.memory_space<hbm>> -> memref<16384xf32, #tpu.memory_space<hbm>>
      %dma_wait3A_199 = arith.constant 0 : i32
      %dma_wait3A_200 = tpu.memref_slice %arg2[%dma_wait3A_199] : memref<67108864xf32, #tpu.memory_space<hbm>> -> memref<16384xf32, #tpu.memory_space<hbm>>
      tpu.wait_dma2 semaphore(%arg11 : memref<!tpu.dma_semaphore, #tpu.memory_space<semaphore_mem>>) src(%dma_wait3A_200 : memref<16384xf32, #tpu.memory_space<hbm>>) dst(%arg5 : memref<16384xf32, #tpu.memory_space<vmem>>)
      %dma_wait3A_201 = arith.constant 0 : i32
      %dma_wait3A_202 = tpu.memref_slice %arg3[%dma_wait3A_201] : memref<16777216xf32, #tpu.memory_space<hbm>> -> memref<16384xf32, #tpu.memory_space<hbm>>
      %dma_wait3A_203 = arith.constant 0 : i32
      %dma_wait3A_204 = tpu.memref_slice %arg3[%dma_wait3A_203] : memref<16777216xf32, #tpu.memory_space<hbm>> -> memref<16384xf32, #tpu.memory_space<hbm>>
      tpu.wait_dma2 semaphore(%arg16 : memref<!tpu.dma_semaphore, #tpu.memory_space<semaphore_mem>>) src(%dma_wait3A_204 : memref<16384xf32, #tpu.memory_space<hbm>>) dst(%arg10 : memref<16384xf32, #tpu.memory_space<vmem>>)
      %ge3A_205 = arith.constant 2 : i32
      %ge3A_206 = arith.cmpi sge, %add3A_196, %ge3A_205 : i32
      %convert_element_type3A_207 = arith.extui %ge3A_206 : i1 to i32
      %cond3A_208 = arith.constant 0 : i32
      %cond3A_209 = arith.cmpi ne, %convert_element_type3A_207, %cond3A_208 : i32
      scf.if %cond3A_209 {
        %dma_wait3A_340 = arith.constant 0 : i32
        %dma_wait3A_341 = tpu.memref_slice %arg4[%dma_wait3A_340] : memref<67108864xf32, #tpu.memory_space<hbm>> -> memref<16384xf32, #tpu.memory_space<hbm>>
        %dma_wait3A_342 = arith.constant 0 : i32
        %dma_wait3A_343 = tpu.memref_slice %arg4[%dma_wait3A_342] : memref<67108864xf32, #tpu.memory_space<hbm>> -> memref<16384xf32, #tpu.memory_space<hbm>>
        tpu.wait_dma2 semaphore(%arg13 : memref<!tpu.dma_semaphore, #tpu.memory_space<semaphore_mem>>) src(%arg7 : memref<16384xf32, #tpu.memory_space<vmem>>) dst(%dma_wait3A_343 : memref<16384xf32, #tpu.memory_space<hbm>>)
      } else {
      }
      %parallel_loop3A_210 = arith.constant 0 : i32
      %parallel_loop3A_211 = arith.constant 16384 : i32
      %parallel_loop3A_212 = arith.constant 16 : i32
      scf.for %parallel_loop3A_340 = %parallel_loop3A_210 to %parallel_loop3A_211 step %parallel_loop3A_212  : i32 {
        %parallel_loop3A_341 = arith.index_cast %parallel_loop3A_340 : i32 to index
        %parallel_loop3A_342 = tpu.vector_load %arg5[%parallel_loop3A_341] {strides = array<i32>} : memref<16384xf32, #tpu.memory_space<vmem>>, vector<16xf32>,
        %parallel_loop3A_343 = vector.shape_cast %parallel_loop3A_342 : vector<16xf32> to vector<16xf32>
        %parallel_loop3A_344 = arith.index_cast %parallel_loop3A_340 : i32 to index
        %parallel_loop3A_345 = tpu.vector_load %arg10[%parallel_loop3A_344] {strides = array<i32>} : memref<16384xf32, #tpu.memory_space<vmem>>, vector<16xf32>,
        %parallel_loop3A_346 = vector.shape_cast %parallel_loop3A_345 : vector<16xf32> to vector<16xf32>
        %parallel_loop3A_347 = arith.mulf %parallel_loop3A_343, %parallel_loop3A_346 : vector<16xf32>
        %parallel_loop3A_348 = arith.index_cast %parallel_loop3A_340 : i32 to index
        %parallel_loop3A_349 = tpu.vector_load %arg7[%parallel_loop3A_348] {strides = array<i32>} : memref<16384xf32, #tpu.memory_space<vmem>>, vector<16xf32>,
        %parallel_loop3A_350 = vector.shape_cast %parallel_loop3A_349 : vector<16xf32> to vector<16xf32>
        %parallel_loop3A_351 = vector.shape_cast %parallel_loop3A_347 : vector<16xf32> to vector<16xf32>
        tpu.vector_store %arg7[%parallel_loop3A_348], %parallel_loop3A_351 {strides = array<i32>} : memref<16384xf32, #tpu.memory_space<vmem>>, vector<16xf32>,
      } {sc.loop_unroll_factor = 16 : i64, sc.parallel_access}
      %mul3A_213 = arith.constant 8 : i32
      %mul3A_214 = arith.muli %add3A_192, %mul3A_213 : i32
      %add3A_215 = arith.addi %mul3A_2, %mul3A_214 : i32
      %mul3A_216 = arith.constant 2048 : i32
      %mul3A_217 = arith.muli %add3A_215, %mul3A_216 : i32
      %add3A_218 = arith.constant 0 : i32
      %add3A_219 = arith.addi %add3A_218, %mul3A_217 : i32
      %dma_start3A_220 = tpu.memref_slice %arg4[%add3A_219] : memref<67108864xf32, #tpu.memory_space<hbm>> -> memref<16384xf32, #tpu.memory_space<hbm>>
      %dma_start3A_221 = tpu.memref_slice %arg4[%add3A_219] : memref<67108864xf32, #tpu.memory_space<hbm>> -> memref<16384xf32, #tpu.memory_space<hbm>>
      tpu.enqueue_dma source(%arg7 : memref<16384xf32, #tpu.memory_space<vmem>>) target(%dma_start3A_221 : memref<16384xf32, #tpu.memory_space<hbm>>) target_semaphore(%arg13 : memref<!tpu.dma_semaphore, #tpu.memory_space<semaphore_mem>>)
      %add3A_222 = arith.constant 0 : i32
      %add3A_223 = arith.addi %add3A_192, %add3A_222 : i32
      %add3A_224 = arith.constant 2 : i32
      %add3A_225 = arith.addi %add3A_196, %add3A_224 : i32
      %lt3A_226 = arith.constant 128 : i32
      %lt3A_227 = arith.cmpi slt, %add3A_225, %lt3A_226 : i32
      %convert_element_type3A_228 = arith.extui %lt3A_227 : i1 to i32
      %cond3A_229 = arith.constant 0 : i32
      %cond3A_230 = arith.cmpi ne, %convert_element_type3A_228, %cond3A_229 : i32
      scf.if %cond3A_230 {
        %mul3A_340 = arith.constant 8 : i32
        %mul3A_341 = arith.muli %add3A_223, %mul3A_340 : i32
        %add3A_342 = arith.addi %mul3A_2, %mul3A_341 : i32
        %mul3A_343 = arith.constant 2048 : i32
        %mul3A_344 = arith.muli %add3A_342, %mul3A_343 : i32
        %add3A_345 = arith.constant 33554432 : i32
        %add3A_346 = arith.addi %add3A_345, %mul3A_344 : i32
        %dma_start3A_347 = tpu.memref_slice %arg2[%add3A_346] : memref<67108864xf32, #tpu.memory_space<hbm>> -> memref<16384xf32, #tpu.memory_space<hbm>>
        %dma_start3A_348 = tpu.memref_slice %arg2[%add3A_346] : memref<67108864xf32, #tpu.memory_space<hbm>> -> memref<16384xf32, #tpu.memory_space<hbm>>
        tpu.enqueue_dma source(%dma_start3A_348 : memref<16384xf32, #tpu.memory_space<hbm>>) target(%arg5 : memref<16384xf32, #tpu.memory_space<vmem>>) target_semaphore(%arg11 : memref<!tpu.dma_semaphore, #tpu.memory_space<semaphore_mem>>)
      } else {
      }
      %mul3A_231 = arith.constant 4 : i32
      %mul3A_232 = arith.muli %add3A_192, %mul3A_231 : i32
      %add3A_233 = arith.constant 1 : i32
      %add3A_234 = arith.addi %mul3A_232, %add3A_233 : i32
      %dma_wait3A_235 = arith.constant 0 : i32
      %dma_wait3A_236 = tpu.memref_slice %arg2[%dma_wait3A_235] : memref<67108864xf32, #tpu.memory_space<hbm>> -> memref<16384xf32, #tpu.memory_space<hbm>>
      %dma_wait3A_237 = arith.constant 0 : i32
      %dma_wait3A_238 = tpu.memref_slice %arg2[%dma_wait3A_237] : memref<67108864xf32, #tpu.memory_space<hbm>> -> memref<16384xf32, #tpu.memory_space<hbm>>
      tpu.wait_dma2 semaphore(%arg12 : memref<!tpu.dma_semaphore, #tpu.memory_space<semaphore_mem>>) src(%dma_wait3A_238 : memref<16384xf32, #tpu.memory_space<hbm>>) dst(%arg6 : memref<16384xf32, #tpu.memory_space<vmem>>)
      %ge3A_239 = arith.constant 2 : i32
      %ge3A_240 = arith.cmpi sge, %add3A_234, %ge3A_239 : i32
      %convert_element_type3A_241 = arith.extui %ge3A_240 : i1 to i32
      %cond3A_242 = arith.constant 0 : i32
      %cond3A_243 = arith.cmpi ne, %convert_element_type3A_241, %cond3A_242 : i32
      scf.if %cond3A_243 {
        %dma_wait3A_340 = arith.constant 0 : i32
        %dma_wait3A_341 = tpu.memref_slice %arg4[%dma_wait3A_340] : memref<67108864xf32, #tpu.memory_space<hbm>> -> memref<16384xf32, #tpu.memory_space<hbm>>
        %dma_wait3A_342 = arith.constant 0 : i32
        %dma_wait3A_343 = tpu.memref_slice %arg4[%dma_wait3A_342] : memref<67108864xf32, #tpu.memory_space<hbm>> -> memref<16384xf32, #tpu.memory_space<hbm>>
        tpu.wait_dma2 semaphore(%arg14 : memref<!tpu.dma_semaphore, #tpu.memory_space<semaphore_mem>>) src(%arg8 : memref<16384xf32, #tpu.memory_space<vmem>>) dst(%dma_wait3A_343 : memref<16384xf32, #tpu.memory_space<hbm>>)
      } else {
      }
      %parallel_loop3A_244 = arith.constant 0 : i32
      %parallel_loop3A_245 = arith.constant 16384 : i32
      %parallel_loop3A_246 = arith.constant 16 : i32
      scf.for %parallel_loop3A_340 = %parallel_loop3A_244 to %parallel_loop3A_245 step %parallel_loop3A_246  : i32 {
        %parallel_loop3A_341 = arith.index_cast %parallel_loop3A_340 : i32 to index
        %parallel_loop3A_342 = tpu.vector_load %arg6[%parallel_loop3A_341] {strides = array<i32>} : memref<16384xf32, #tpu.memory_space<vmem>>, vector<16xf32>,
        %parallel_loop3A_343 = vector.shape_cast %parallel_loop3A_342 : vector<16xf32> to vector<16xf32>
        %parallel_loop3A_344 = arith.index_cast %parallel_loop3A_340 : i32 to index
        %parallel_loop3A_345 = tpu.vector_load %arg10[%parallel_loop3A_344] {strides = array<i32>} : memref<16384xf32, #tpu.memory_space<vmem>>, vector<16xf32>,
        %parallel_loop3A_346 = vector.shape_cast %parallel_loop3A_345 : vector<16xf32> to vector<16xf32>
        %parallel_loop3A_347 = arith.mulf %parallel_loop3A_343, %parallel_loop3A_346 : vector<16xf32>
        %parallel_loop3A_348 = arith.index_cast %parallel_loop3A_340 : i32 to index
        %parallel_loop3A_349 = tpu.vector_load %arg8[%parallel_loop3A_348] {strides = array<i32>} : memref<16384xf32, #tpu.memory_space<vmem>>, vector<16xf32>,
        %parallel_loop3A_350 = vector.shape_cast %parallel_loop3A_349 : vector<16xf32> to vector<16xf32>
        %parallel_loop3A_351 = vector.shape_cast %parallel_loop3A_347 : vector<16xf32> to vector<16xf32>
        tpu.vector_store %arg8[%parallel_loop3A_348], %parallel_loop3A_351 {strides = array<i32>} : memref<16384xf32, #tpu.memory_space<vmem>>, vector<16xf32>,
      } {sc.loop_unroll_factor = 16 : i64, sc.parallel_access}
      %mul3A_247 = arith.constant 8 : i32
      %mul3A_248 = arith.muli %add3A_192, %mul3A_247 : i32
      %add3A_249 = arith.addi %mul3A_2, %mul3A_248 : i32
      %mul3A_250 = arith.constant 2048 : i32
      %mul3A_251 = arith.muli %add3A_249, %mul3A_250 : i32
      %add3A_252 = arith.constant 16777216 : i32
      %add3A_253 = arith.addi %add3A_252, %mul3A_251 : i32
      %dma_start3A_254 = tpu.memref_slice %arg4[%add3A_253] : memref<67108864xf32, #tpu.memory_space<hbm>> -> memref<16384xf32, #tpu.memory_space<hbm>>
      %dma_start3A_255 = tpu.memref_slice %arg4[%add3A_253] : memref<67108864xf32, #tpu.memory_space<hbm>> -> memref<16384xf32, #tpu.memory_space<hbm>>
      tpu.enqueue_dma source(%arg8 : memref<16384xf32, #tpu.memory_space<vmem>>) target(%dma_start3A_255 : memref<16384xf32, #tpu.memory_space<hbm>>) target_semaphore(%arg14 : memref<!tpu.dma_semaphore, #tpu.memory_space<semaphore_mem>>)
      %add3A_256 = arith.constant 0 : i32
      %add3A_257 = arith.addi %add3A_192, %add3A_256 : i32
      %add3A_258 = arith.constant 2 : i32
      %add3A_259 = arith.addi %add3A_234, %add3A_258 : i32
      %lt3A_260 = arith.constant 128 : i32
      %lt3A_261 = arith.cmpi slt, %add3A_259, %lt3A_260 : i32
      %convert_element_type3A_262 = arith.extui %lt3A_261 : i1 to i32
      %cond3A_263 = arith.constant 0 : i32
      %cond3A_264 = arith.cmpi ne, %convert_element_type3A_262, %cond3A_263 : i32
      scf.if %cond3A_264 {
        %mul3A_340 = arith.constant 8 : i32
        %mul3A_341 = arith.muli %add3A_257, %mul3A_340 : i32
        %add3A_342 = arith.addi %mul3A_2, %mul3A_341 : i32
        %mul3A_343 = arith.constant 2048 : i32
        %mul3A_344 = arith.muli %add3A_342, %mul3A_343 : i32
        %add3A_345 = arith.constant 50331648 : i32
        %add3A_346 = arith.addi %add3A_345, %mul3A_344 : i32
        %dma_start3A_347 = tpu.memref_slice %arg2[%add3A_346] : memref<67108864xf32, #tpu.memory_space<hbm>> -> memref<16384xf32, #tpu.memory_space<hbm>>
        %dma_start3A_348 = tpu.memref_slice %arg2[%add3A_346] : memref<67108864xf32, #tpu.memory_space<hbm>> -> memref<16384xf32, #tpu.memory_space<hbm>>
        tpu.enqueue_dma source(%dma_start3A_348 : memref<16384xf32, #tpu.memory_space<hbm>>) target(%arg6 : memref<16384xf32, #tpu.memory_space<vmem>>) target_semaphore(%arg12 : memref<!tpu.dma_semaphore, #tpu.memory_space<semaphore_mem>>)
      } else {
      }
      %mul3A_265 = arith.constant 4 : i32
      %mul3A_266 = arith.muli %add3A_192, %mul3A_265 : i32
      %add3A_267 = arith.constant 2 : i32
      %add3A_268 = arith.addi %mul3A_266, %add3A_267 : i32
      %dma_wait3A_269 = arith.constant 0 : i32
      %dma_wait3A_270 = tpu.memref_slice %arg2[%dma_wait3A_269] : memref<67108864xf32, #tpu.memory_space<hbm>> -> memref<16384xf32, #tpu.memory_space<hbm>>
      %dma_wait3A_271 = arith.constant 0 : i32
      %dma_wait3A_272 = tpu.memref_slice %arg2[%dma_wait3A_271] : memref<67108864xf32, #tpu.memory_space<hbm>> -> memref<16384xf32, #tpu.memory_space<hbm>>
      tpu.wait_dma2 semaphore(%arg11 : memref<!tpu.dma_semaphore, #tpu.memory_space<semaphore_mem>>) src(%dma_wait3A_272 : memref<16384xf32, #tpu.memory_space<hbm>>) dst(%arg5 : memref<16384xf32, #tpu.memory_space<vmem>>)
      %ge3A_273 = arith.constant 2 : i32
      %ge3A_274 = arith.cmpi sge, %add3A_268, %ge3A_273 : i32
      %convert_element_type3A_275 = arith.extui %ge3A_274 : i1 to i32
      %cond3A_276 = arith.constant 0 : i32
      %cond3A_277 = arith.cmpi ne, %convert_element_type3A_275, %cond3A_276 : i32
      scf.if %cond3A_277 {
        %dma_wait3A_340 = arith.constant 0 : i32
        %dma_wait3A_341 = tpu.memref_slice %arg4[%dma_wait3A_340] : memref<67108864xf32, #tpu.memory_space<hbm>> -> memref<16384xf32, #tpu.memory_space<hbm>>
        %dma_wait3A_342 = arith.constant 0 : i32
        %dma_wait3A_343 = tpu.memref_slice %arg4[%dma_wait3A_342] : memref<67108864xf32, #tpu.memory_space<hbm>> -> memref<16384xf32, #tpu.memory_space<hbm>>
        tpu.wait_dma2 semaphore(%arg13 : memref<!tpu.dma_semaphore, #tpu.memory_space<semaphore_mem>>) src(%arg7 : memref<16384xf32, #tpu.memory_space<vmem>>) dst(%dma_wait3A_343 : memref<16384xf32, #tpu.memory_space<hbm>>)
      } else {
      }
      %parallel_loop3A_278 = arith.constant 0 : i32
      %parallel_loop3A_279 = arith.constant 16384 : i32
      %parallel_loop3A_280 = arith.constant 16 : i32
      scf.for %parallel_loop3A_340 = %parallel_loop3A_278 to %parallel_loop3A_279 step %parallel_loop3A_280  : i32 {
        %parallel_loop3A_341 = arith.index_cast %parallel_loop3A_340 : i32 to index
        %parallel_loop3A_342 = tpu.vector_load %arg5[%parallel_loop3A_341] {strides = array<i32>} : memref<16384xf32, #tpu.memory_space<vmem>>, vector<16xf32>,
        %parallel_loop3A_343 = vector.shape_cast %parallel_loop3A_342 : vector<16xf32> to vector<16xf32>
        %parallel_loop3A_344 = arith.index_cast %parallel_loop3A_340 : i32 to index
        %parallel_loop3A_345 = tpu.vector_load %arg10[%parallel_loop3A_344] {strides = array<i32>} : memref<16384xf32, #tpu.memory_space<vmem>>, vector<16xf32>,
        %parallel_loop3A_346 = vector.shape_cast %parallel_loop3A_345 : vector<16xf32> to vector<16xf32>
        %parallel_loop3A_347 = arith.mulf %parallel_loop3A_343, %parallel_loop3A_346 : vector<16xf32>
        %parallel_loop3A_348 = arith.index_cast %parallel_loop3A_340 : i32 to index
        %parallel_loop3A_349 = tpu.vector_load %arg7[%parallel_loop3A_348] {strides = array<i32>} : memref<16384xf32, #tpu.memory_space<vmem>>, vector<16xf32>,
        %parallel_loop3A_350 = vector.shape_cast %parallel_loop3A_349 : vector<16xf32> to vector<16xf32>
        %parallel_loop3A_351 = vector.shape_cast %parallel_loop3A_347 : vector<16xf32> to vector<16xf32>
        tpu.vector_store %arg7[%parallel_loop3A_348], %parallel_loop3A_351 {strides = array<i32>} : memref<16384xf32, #tpu.memory_space<vmem>>, vector<16xf32>,
      } {sc.loop_unroll_factor = 16 : i64, sc.parallel_access}
      %mul3A_281 = arith.constant 8 : i32
      %mul3A_282 = arith.muli %add3A_192, %mul3A_281 : i32
      %add3A_283 = arith.addi %mul3A_2, %mul3A_282 : i32
      %mul3A_284 = arith.constant 2048 : i32
      %mul3A_285 = arith.muli %add3A_283, %mul3A_284 : i32
      %add3A_286 = arith.constant 33554432 : i32
      %add3A_287 = arith.addi %add3A_286, %mul3A_285 : i32
      %dma_start3A_288 = tpu.memref_slice %arg4[%add3A_287] : memref<67108864xf32, #tpu.memory_space<hbm>> -> memref<16384xf32, #tpu.memory_space<hbm>>
      %dma_start3A_289 = tpu.memref_slice %arg4[%add3A_287] : memref<67108864xf32, #tpu.memory_space<hbm>> -> memref<16384xf32, #tpu.memory_space<hbm>>
      tpu.enqueue_dma source(%arg7 : memref<16384xf32, #tpu.memory_space<vmem>>) target(%dma_start3A_289 : memref<16384xf32, #tpu.memory_space<hbm>>) target_semaphore(%arg13 : memref<!tpu.dma_semaphore, #tpu.memory_space<semaphore_mem>>)
      %add3A_290 = arith.constant 1 : i32
      %add3A_291 = arith.addi %add3A_192, %add3A_290 : i32
      %add3A_292 = arith.constant 2 : i32
      %add3A_293 = arith.addi %add3A_268, %add3A_292 : i32
      %lt3A_294 = arith.constant 128 : i32
      %lt3A_295 = arith.cmpi slt, %add3A_293, %lt3A_294 : i32
      %convert_element_type3A_296 = arith.extui %lt3A_295 : i1 to i32
      %cond3A_297 = arith.constant 0 : i32
      %cond3A_298 = arith.cmpi ne, %convert_element_type3A_296, %cond3A_297 : i32
      scf.if %cond3A_298 {
        %mul3A_340 = arith.constant 8 : i32
        %mul3A_341 = arith.muli %add3A_291, %mul3A_340 : i32
        %add3A_342 = arith.addi %mul3A_2, %mul3A_341 : i32
        %mul3A_343 = arith.constant 2048 : i32
        %mul3A_344 = arith.muli %add3A_342, %mul3A_343 : i32
        %add3A_345 = arith.constant 0 : i32
        %add3A_346 = arith.addi %add3A_345, %mul3A_344 : i32
        %dma_start3A_347 = tpu.memref_slice %arg2[%add3A_346] : memref<67108864xf32, #tpu.memory_space<hbm>> -> memref<16384xf32, #tpu.memory_space<hbm>>
        %dma_start3A_348 = tpu.memref_slice %arg2[%add3A_346] : memref<67108864xf32, #tpu.memory_space<hbm>> -> memref<16384xf32, #tpu.memory_space<hbm>>
        tpu.enqueue_dma source(%dma_start3A_348 : memref<16384xf32, #tpu.memory_space<hbm>>) target(%arg5 : memref<16384xf32, #tpu.memory_space<vmem>>) target_semaphore(%arg11 : memref<!tpu.dma_semaphore, #tpu.memory_space<semaphore_mem>>)
      } else {
      }
      %mul3A_299 = arith.constant 4 : i32
      %mul3A_300 = arith.muli %add3A_192, %mul3A_299 : i32
      %add3A_301 = arith.constant 3 : i32
      %add3A_302 = arith.addi %mul3A_300, %add3A_301 : i32
      %dma_wait3A_303 = arith.constant 0 : i32
      %dma_wait3A_304 = tpu.memref_slice %arg2[%dma_wait3A_303] : memref<67108864xf32, #tpu.memory_space<hbm>> -> memref<16384xf32, #tpu.memory_space<hbm>>
      %dma_wait3A_305 = arith.constant 0 : i32
      %dma_wait3A_306 = tpu.memref_slice %arg2[%dma_wait3A_305] : memref<67108864xf32, #tpu.memory_space<hbm>> -> memref<16384xf32, #tpu.memory_space<hbm>>
      tpu.wait_dma2 semaphore(%arg12 : memref<!tpu.dma_semaphore, #tpu.memory_space<semaphore_mem>>) src(%dma_wait3A_306 : memref<16384xf32, #tpu.memory_space<hbm>>) dst(%arg6 : memref<16384xf32, #tpu.memory_space<vmem>>)
      %ge3A_307 = arith.constant 2 : i32
      %ge3A_308 = arith.cmpi sge, %add3A_302, %ge3A_307 : i32
      %convert_element_type3A_309 = arith.extui %ge3A_308 : i1 to i32
      %cond3A_310 = arith.constant 0 : i32
      %cond3A_311 = arith.cmpi ne, %convert_element_type3A_309, %cond3A_310 : i32
      scf.if %cond3A_311 {
        %dma_wait3A_340 = arith.constant 0 : i32
        %dma_wait3A_341 = tpu.memref_slice %arg4[%dma_wait3A_340] : memref<67108864xf32, #tpu.memory_space<hbm>> -> memref<16384xf32, #tpu.memory_space<hbm>>
        %dma_wait3A_342 = arith.constant 0 : i32
        %dma_wait3A_343 = tpu.memref_slice %arg4[%dma_wait3A_342] : memref<67108864xf32, #tpu.memory_space<hbm>> -> memref<16384xf32, #tpu.memory_space<hbm>>
        tpu.wait_dma2 semaphore(%arg14 : memref<!tpu.dma_semaphore, #tpu.memory_space<semaphore_mem>>) src(%arg8 : memref<16384xf32, #tpu.memory_space<vmem>>) dst(%dma_wait3A_343 : memref<16384xf32, #tpu.memory_space<hbm>>)
      } else {
      }
      %parallel_loop3A_312 = arith.constant 0 : i32
      %parallel_loop3A_313 = arith.constant 16384 : i32
      %parallel_loop3A_314 = arith.constant 16 : i32
      scf.for %parallel_loop3A_340 = %parallel_loop3A_312 to %parallel_loop3A_313 step %parallel_loop3A_314  : i32 {
        %parallel_loop3A_341 = arith.index_cast %parallel_loop3A_340 : i32 to index
        %parallel_loop3A_342 = tpu.vector_load %arg6[%parallel_loop3A_341] {strides = array<i32>} : memref<16384xf32, #tpu.memory_space<vmem>>, vector<16xf32>,
        %parallel_loop3A_343 = vector.shape_cast %parallel_loop3A_342 : vector<16xf32> to vector<16xf32>
        %parallel_loop3A_344 = arith.index_cast %parallel_loop3A_340 : i32 to index
        %parallel_loop3A_345 = tpu.vector_load %arg10[%parallel_loop3A_344] {strides = array<i32>} : memref<16384xf32, #tpu.memory_space<vmem>>, vector<16xf32>,
        %parallel_loop3A_346 = vector.shape_cast %parallel_loop3A_345 : vector<16xf32> to vector<16xf32>
        %parallel_loop3A_347 = arith.mulf %parallel_loop3A_343, %parallel_loop3A_346 : vector<16xf32>
        %parallel_loop3A_348 = arith.index_cast %parallel_loop3A_340 : i32 to index
        %parallel_loop3A_349 = tpu.vector_load %arg8[%parallel_loop3A_348] {strides = array<i32>} : memref<16384xf32, #tpu.memory_space<vmem>>, vector<16xf32>,
        %parallel_loop3A_350 = vector.shape_cast %parallel_loop3A_349 : vector<16xf32> to vector<16xf32>
        %parallel_loop3A_351 = vector.shape_cast %parallel_loop3A_347 : vector<16xf32> to vector<16xf32>
        tpu.vector_store %arg8[%parallel_loop3A_348], %parallel_loop3A_351 {strides = array<i32>} : memref<16384xf32, #tpu.memory_space<vmem>>, vector<16xf32>,
      } {sc.loop_unroll_factor = 16 : i64, sc.parallel_access}
      %mul3A_315 = arith.constant 8 : i32
      %mul3A_316 = arith.muli %add3A_192, %mul3A_315 : i32
      %add3A_317 = arith.addi %mul3A_2, %mul3A_316 : i32
      %mul3A_318 = arith.constant 2048 : i32
      %mul3A_319 = arith.muli %add3A_317, %mul3A_318 : i32
      %add3A_320 = arith.constant 50331648 : i32
      %add3A_321 = arith.addi %add3A_320, %mul3A_319 : i32
      %dma_start3A_322 = tpu.memref_slice %arg4[%add3A_321] : memref<67108864xf32, #tpu.memory_space<hbm>> -> memref<16384xf32, #tpu.memory_space<hbm>>
      %dma_start3A_323 = tpu.memref_slice %arg4[%add3A_321] : memref<67108864xf32, #tpu.memory_space<hbm>> -> memref<16384xf32, #tpu.memory_space<hbm>>
      tpu.enqueue_dma source(%arg8 : memref<16384xf32, #tpu.memory_space<vmem>>) target(%dma_start3A_323 : memref<16384xf32, #tpu.memory_space<hbm>>) target_semaphore(%arg14 : memref<!tpu.dma_semaphore, #tpu.memory_space<semaphore_mem>>)
      %add3A_324 = arith.constant 1 : i32
      %add3A_325 = arith.addi %add3A_192, %add3A_324 : i32
      %add3A_326 = arith.constant 2 : i32
      %add3A_327 = arith.addi %add3A_302, %add3A_326 : i32
      %lt3A_328 = arith.constant 128 : i32
      %lt3A_329 = arith.cmpi slt, %add3A_327, %lt3A_328 : i32
      %convert_element_type3A_330 = arith.extui %lt3A_329 : i1 to i32
      %cond3A_331 = arith.constant 0 : i32
      %cond3A_332 = arith.cmpi ne, %convert_element_type3A_330, %cond3A_331 : i32
      scf.if %cond3A_332 {
        %mul3A_340 = arith.constant 8 : i32
        %mul3A_341 = arith.muli %add3A_325, %mul3A_340 : i32
        %add3A_342 = arith.addi %mul3A_2, %mul3A_341 : i32
        %mul3A_343 = arith.constant 2048 : i32
        %mul3A_344 = arith.muli %add3A_342, %mul3A_343 : i32
        %add3A_345 = arith.constant 16777216 : i32
        %add3A_346 = arith.addi %add3A_345, %mul3A_344 : i32
        %dma_start3A_347 = tpu.memref_slice %arg2[%add3A_346] : memref<67108864xf32, #tpu.memory_space<hbm>> -> memref<16384xf32, #tpu.memory_space<hbm>>
        %dma_start3A_348 = tpu.memref_slice %arg2[%add3A_346] : memref<67108864xf32, #tpu.memory_space<hbm>> -> memref<16384xf32, #tpu.memory_space<hbm>>
        tpu.enqueue_dma source(%dma_start3A_348 : memref<16384xf32, #tpu.memory_space<hbm>>) target(%arg6 : memref<16384xf32, #tpu.memory_space<vmem>>) target_semaphore(%arg12 : memref<!tpu.dma_semaphore, #tpu.memory_space<semaphore_mem>>)
      } else {
      }
      %add3A_333 = arith.constant 2 : i32
      %add3A_334 = arith.addi %add3A_192, %add3A_333 : i32
      %lt3A_335 = arith.constant 32 : i32
      %lt3A_336 = arith.cmpi slt, %add3A_334, %lt3A_335 : i32
      %convert_element_type3A_337 = arith.extui %lt3A_336 : i1 to i32
      %cond3A_338 = arith.constant 0 : i32
      %cond3A_339 = arith.cmpi ne, %convert_element_type3A_337, %cond3A_338 : i32
      scf.if %cond3A_339 {
        %add3A_340 = arith.constant 2 : i32
        %add3A_341 = arith.addi %add3A_192, %add3A_340 : i32
        %mul3A_342 = arith.constant 8 : i32
        %mul3A_343 = arith.muli %add3A_341, %mul3A_342 : i32
        %add3A_344 = arith.addi %mul3A_2, %mul3A_343 : i32
        %mul3A_345 = arith.constant 2048 : i32
        %mul3A_346 = arith.muli %add3A_344, %mul3A_345 : i32
        %dma_start3A_347 = tpu.memref_slice %arg3[%mul3A_346] : memref<16777216xf32, #tpu.memory_space<hbm>> -> memref<16384xf32, #tpu.memory_space<hbm>>
        %dma_start3A_348 = tpu.memref_slice %arg3[%mul3A_346] : memref<16777216xf32, #tpu.memory_space<hbm>> -> memref<16384xf32, #tpu.memory_space<hbm>>
        tpu.enqueue_dma source(%dma_start3A_348 : memref<16384xf32, #tpu.memory_space<hbm>>) target(%arg10 : memref<16384xf32, #tpu.memory_space<vmem>>) target_semaphore(%arg16 : memref<!tpu.dma_semaphore, #tpu.memory_space<semaphore_mem>>)
      } else {
      }
    }
    %scan3A_34 = arith.constant 16 : i32
    %dma_wait3A = arith.constant 0 : i32
    %dma_wait3A_35 = tpu.memref_slice %arg4[%dma_wait3A] : memref<67108864xf32, #tpu.memory_space<hbm>> -> memref<16384xf32, #tpu.memory_space<hbm>>
    %dma_wait3A_36 = arith.constant 0 : i32
    %dma_wait3A_37 = tpu.memref_slice %arg4[%dma_wait3A_36] : memref<67108864xf32, #tpu.memory_space<hbm>> -> memref<16384xf32, #tpu.memory_space<hbm>>
    tpu.wait_dma2 semaphore(%arg13 : memref<!tpu.dma_semaphore, #tpu.memory_space<semaphore_mem>>) src(%arg7 : memref<16384xf32, #tpu.memory_space<vmem>>) dst(%dma_wait3A_37 : memref<16384xf32, #tpu.memory_space<hbm>>)
    %dma_wait3A_38 = arith.constant 0 : i32
    %dma_wait3A_39 = tpu.memref_slice %arg4[%dma_wait3A_38] : memref<67108864xf32, #tpu.memory_space<hbm>> -> memref<16384xf32, #tpu.memory_space<hbm>>
    %dma_wait3A_40 = arith.constant 0 : i32
    %dma_wait3A_41 = tpu.memref_slice %arg4[%dma_wait3A_40] : memref<67108864xf32, #tpu.memory_space<hbm>> -> memref<16384xf32, #tpu.memory_space<hbm>>
    tpu.wait_dma2 semaphore(%arg14 : memref<!tpu.dma_semaphore, #tpu.memory_space<semaphore_mem>>) src(%arg8 : memref<16384xf32, #tpu.memory_space<vmem>>) dst(%dma_wait3A_41 : memref<16384xf32, #tpu.memory_space<hbm>>)
    return
  }
}

</mosaic_0001>

<sc_bundles>
// kernel: kernel.3.cloned.1.call-start
scs
__scs_entry_jumppad:
0x0: {  	(pc) =	sbr.rel $0x88, $3  }
0x1: {  	(tag) =	ssettag $0x0;
	lr =	simm.s32 $0x1  }
0x2: {  	[smem:$0x3F9F] =	sst lr;
	_ =	strace $0xD0000000  }
0x3: {  	_ = 	snop  }
0x4: {  	_ = 	snop  }
0x5: {  	_ = 	snop  }
0x6: {  	_ = 	snop  }
0x7: {  	_ = 	snop  }
__scs_overlays_trampoline_lowered:
0x8: {  	[smem:$0x3FAE] =	sst s0  }
0x9: {  	[smem:$0x3FAF] =	sst s1  }
0xa: {  	[smem:$0x3FB0] =	sst s2  }
0xb: {  	[smem:$0x3FB1] =	sst s3  }
0xc: {  	[smem:$0x3FB2] =	sst s4  }
0xd: {  	[smem:$0x3FB3] =	sst s5  }
0xe: {  	[smem:$0x3FB4] =	sst s6  }
0xf: {  	[smem:$0x3FB5] =	sst s7  }
0x10: {  	[smem:$0x3FB6] =	sst s8  }
0x11: {  	[smem:$0x3FB7] =	sst s9;
	s0 =	simm.s32 @!p0 $0x0  }
0x12: {  	s1 =	sld [smem:$0x3F9D];
	s0 =	simm.s32 @p0 $0x1  }
0x13: {  	[smem:$0x3FB8] =	sst s0;
	s0 =	simm.s32 @!p1 $0x0  }
0x14: {  	s2 =	sld [smem:$0x3F9C];
	s0 =	simm.s32 @p1 $0x1  }
0x15: {  	[smem:$0x3FB9] =	sst s0;
	s0 =	simm.s32 @!p2 $0x0  }
0x16: {  	s3 =	sld [smem:$0x3FDB];
	s0 =	simm.s32 @p2 $0x1  }
0x17: {  	s4 =	simm.s32 $0x1BF5;
	[smem:$0x3FBB] =	sst s0  }
0x18: {  	s0 =	sld [smem:$0x3F9E];
	_ =	swait.ge [sflag:s4], $0x0  }
0x19: {  	s7 =	sld [smem:$0x3F9F]  }
0x1a: {  	s8 =	sadd.s32 $0xFFFFE003, lr  }
0x1b: {  	s9 =	sadd.s32 $0xFFFFFEF7, lr;
	s5 =	simm.s32 $0xFFFFFFFF;
	p2 =	slt.u32 s8, $0xFFFFF086  }
0x1c: {  	p1 =	slt.u32 s9, $0xF7A;
	s5 =	simm.s32 @!p2 $0x0  }
0x1d: {  	s5 =	simm.s32 @p1 $0x1;
	p0 =	seq.s32 s7, s2  }
0x1e: {  	s7 =	smul.u32 @!p0 $0xF7A, s2;
	p2 =	seq.s32 @!p0 s5, $0x0  }
0x1f: {  	s9 =	smul.u32 $0xF7A, s1;
	s8 =	simm.s32 @!p0 $0x1BF5;
	p2 =	por !p2, p0  }
0x20: {  	[sflag:s8] =	ssyncset.s32 @!p0 $0xFFFFF086;
	s6 =	sadd.s32 @!p0 s3, s7;
	s7 =	simm.s32 @!p0 $0x108  }
0x21: {  	s3 =	sadd.s32 s3, s9;
	s6 =	sadd.s32 @!p0 $0x88, s6;
	s7 =	simm.s32 @p2 $0x1082  }
0x22: {  	[simem:s7], [sflag:s8] =	dma.local @!p0 [hbm:s6], $0xF7A  }
0x23: {  	s9 =	sor.u32 $0xD0000000, s2;
	s6 =	simm.s32 $0x108;
	_ =	swait.ge @!p0 [sflag:s8], $0x0  }
0x24: {  	s3 =	sadd.s32 $0x88, s3;
	s6 =	simm.s32 @!p1 $0x1082;
	[sflag:s4] =	ssyncset.s32 $0xFFFFF086  }
0x25: {  	[simem:s6], [sflag:s4] =	dma.local [hbm:s3], $0xF7A  }
0x26: {  	[smem:$0x3F9F] =	sst s1;
	(tag) =	ssettag s2;
	_ =	strace s9  }
0x27: {  	s1 =	sld [smem:$0x3FAF]  }
0x28: {  	s2 =	sld [smem:$0x3FB0]  }
0x29: {  	s4 =	sld [smem:$0x3FB2]  }
0x2a: {  	p0 =	seq.s32 s5, $0x0;
	s5 =	sld [smem:$0x3FB3]  }
0x2b: {  	s6 =	sld [smem:$0x3FB4]  }
0x2c: {  	s7 =	sld [smem:$0x3FB5]  }
0x2d: {  	s3 =	simm.s32 $0x108;
	s8 =	sld [smem:$0x3FB6]  }
0x2e: {  	s3 =	simm.s32 @!p0 $0x1082;
	s9 =	sld [smem:$0x3FB7]  }
0x2f: {  	lr =	sadd.s32 s0, s3;
	s0 =	sld [smem:$0x3FAE]  }
0x30: {  	s3 =	sld [smem:$0x3FB1]  }
0x31: {  	[smem:$0x3FBA] =	sst s10  }
0x32: {  	s10 =	sld [smem:$0x3FB8];
	_ =	sdelay $0x3  }
0x33: {  	p0 =	seq.s32 s10, $0x1;
	s10 =	sld [smem:$0x3FBA];
	_ =	sdelay $0x3  }
0x34: {  	[smem:$0x3FBA] =	sst s10  }
0x35: {  	s10 =	sld [smem:$0x3FB9];
	_ =	sdelay $0x3  }
0x36: {  	p1 =	seq.s32 s10, $0x1;
	s10 =	sld [smem:$0x3FBA];
	_ =	sdelay $0x3  }
0x37: {  	[smem:$0x3FBA] =	sst s10  }
0x38: {  	s10 =	sld [smem:$0x3FBB]  }
0x39: {  	_ = 	snop;
	(pc) =	sbr.ind lr, $3  }
0x3a: {  	_ = 	snop  }
0x3b: {  	_ = 	snop  }
0x3c: {  	p2 =	seq.s32 s10, $0x1;
	s10 =	sld [smem:$0x3FBA]  }
0x3d: {  	_ =	shalt  }
0x3e: {  	_ =	shalt  }
0x3f: {  	_ =	shalt  }
0x40: {  	_ =	shalt  }
0x41: {  	_ =	shalt  }
0x42: {  	_ =	shalt  }
0x43: {  	_ =	shalt  }
0x44: {  	_ =	shalt  }
0x45: {  	_ =	shalt  }
0x46: {  	_ =	shalt  }
0x47: {  	_ =	shalt  }
0x48: {  	_ =	shalt  }
0x49: {  	_ =	shalt  }
0x4a: {  	_ =	shalt  }
0x4b: {  	_ =	shalt  }
0x4c: {  	_ =	shalt  }
0x4d: {  	_ =	shalt  }
0x4e: {  	_ =	shalt  }
0x4f: {  	_ =	shalt  }
0x50: {  	_ =	shalt  }
0x51: {  	_ =	shalt  }
0x52: {  	_ =	shalt  }
0x53: {  	_ =	shalt  }
0x54: {  	_ =	shalt  }
0x55: {  	_ =	shalt  }
0x56: {  	_ =	shalt  }
0x57: {  	_ =	shalt  }
0x58: {  	_ =	shalt  }
0x59: {  	_ =	shalt  }
0x5a: {  	_ =	shalt  }
0x5b: {  	_ =	shalt  }
0x5c: {  	_ =	shalt  }
0x5d: {  	_ =	shalt  }
0x5e: {  	_ =	shalt  }
0x5f: {  	_ =	shalt  }
0x60: {  	_ =	shalt  }
0x61: {  	_ =	shalt  }
0x62: {  	_ =	shalt  }
0x63: {  	_ =	shalt  }
0x64: {  	_ =	shalt  }
0x65: {  	_ =	shalt  }
0x66: {  	_ =	shalt  }
0x67: {  	_ =	shalt  }
0x68: {  	_ =	shalt  }
0x69: {  	_ =	shalt  }
0x6a: {  	_ =	shalt  }
0x6b: {  	_ =	shalt  }
0x6c: {  	_ =	shalt  }
0x6d: {  	_ =	shalt  }
0x6e: {  	_ =	shalt  }
0x6f: {  	_ =	shalt  }
0x70: {  	_ =	shalt  }
0x71: {  	_ =	shalt  }
0x72: {  	_ =	shalt  }
0x73: {  	_ =	shalt  }
0x74: {  	_ =	shalt  }
0x75: {  	_ =	shalt  }
0x76: {  	_ =	shalt  }
0x77: {  	_ =	shalt  }
0x78: {  	_ =	shalt  }
0x79: {  	_ =	shalt  }
0x7a: {  	_ =	shalt  }
0x7b: {  	_ =	shalt  }
0x7c: {  	_ =	shalt  }
0x7d: {  	_ =	shalt  }
0x7e: {  	_ =	shalt  }
0x7f: {  	_ =	shalt  }
0x80: {  	_ =	shalt  }
0x81: {  	_ =	shalt  }
0x82: {  	_ =	shalt  }
0x83: {  	_ =	shalt  }
0x84: {  	_ =	shalt  }
0x85: {  	_ =	shalt  }
0x86: {  	_ =	shalt  }
0x87: {  	_ =	shalt  }
.Lfunc_end0:
.L_simem_size_0:
called_computation.2_lowered:
.L_overlay_start_0:
0x88: {  	s2 =	sld [smem:$0x3FD9]  }
0x89: {  	s3 =	sld [smem:$0x3FFE];
	_ =	sdelay $0x1  }
0x8a: {  	s1 =	srdreg.scid  }
0x8b: {  	s0 =	sand.u32 $0x1, s1  }
0x8c: {  	s17 =	sshll.u32 s0, $0xA;
	s2 =	sadd.s32 s3, s2  }
0x8d: {  	s2 =	sadd.s32 s2, s17  }
0x8e: {  	[smem:$0x3FC6] =	sst s2  }
0x8f: {  	_ = 	snop  }
0x90: {  	s2 =	sld [smem:$0x3FD0];
	(tm) =	ssettm $0x1  }
0x91: {  	s18 =	sld [smem:$0x3FFB];
	_ =	sdelay $0x3  }
0x92: {  	_ =	strace s18  }
0x93: {  	s3 =	sld [smem:$0x3FFC];
	_ =	sdelay $0x3  }
0x94: {  	_ =	strace s3  }
0x95: {  	s3 =	sld [smem:$0x3FFD];
	_ =	sdelay $0x3  }
0x96: {  	_ =	strace s3  }
0x97: {  	_ =	strace $0x8FFFFFFF  }
0x98: {  	s19 =	sld [smem:$0x3FDB];
	_ =	sdelay $0x1  }
0x99: {  	s4 =	simm.s32 $_scs_section_size  }
0x9a: {  	s5 =	simm.s32 $_size__tile_overlayer_lowered;
	s6 =	simm.s32 $_tile_overlayer_lowered  }
0x9b: {  	s22 =	simm.s32 $0x1BFF;
	s21 =	sshll.u32 s6, $0x1;
	s3 =	sadd.s32 s4, s19  }
0x9c: {  	s7 =	simm.s32 $0x0;
	s20 =	sshll.u32 s5, $0x1;
	s5 =	sadd.s32 s21, s3  }
0x9d: {  	[timem:s7], [sflag:s22] =	dma.local [hbm:s5], s20  }
0x9e: {  	_ =	swait.ge [sflag:s22], s20  }
0x9f: {  	s4 =	ssub.s32 $0x0, s20;
	[sflag:s22] =	ssyncset.done $0x0  }
0xa0: {  	[sflag:s22] =	ssyncadd.s32 s4;
	_ =	sdelay $0x1  }
0xa1: {  	s23 =	simm.s32 $0x1B8B  }
0xa2: {  	_ =	swait.ge [sflag:s23], $0x1  }
0xa3: {  	[sflag:s23] =	ssyncset.done $0x0  }
0xa4: {  	s25 =	simm.s32 $0x1B8E;
	s24 =	sld [smem:$0x3FFE];
	[sflag:s23] =	ssyncadd.s32 $0xFFFFFFFF  }
0xa5: {  	s26 =	simm.s32 $execute0_lowered;
	[smem:$0x3FD2] =	sst s25  }
0xa6: {  	s5 =	sshll.u32 s26, $0x1;
	_ =	strace $0x8000004C;
	[dreg:$0x1] =	wrdreg $0xFFFFFFFF  }
0xa7: {  	s28 =	simm.s32 $_size_execute0_lowered;
	s3 =	sadd.s32 s3, s5;
	[dreg:$0x0] =	wrdreg $0x0  }
0xa8: {  	s5 =	sshll.u32 s28, $0x1;
	[dreg:$0x2] =	wrdreg s3  }
0xa9: {  	[dreg:$0x3] =	wrdreg s5  }
0xaa: {  	[dreg:$0x4] =	wrdreg $0xC0  }
0xab: {  	_ =	task [dreg:s7], $0x5FFFF  }
0xac: {  	[dreg:$0x1] =	wrdreg $0xFFFFFFFF  }
0xad: {  	[dreg:$0x0] =	wrdreg $0x60  }
0xae: {  	[dreg:$0x2] =	wrdreg s2  }
0xaf: {  	[dreg:$0x3] =	wrdreg s24  }
0xb0: {  	[dreg:$0x4] =	wrdreg $0x9  }
0xb1: {  	_ =	task.clear_ibuf [dreg:s7], $0x5FFFF;
	_ =	strace $0x9000004C  }
0xb2: {  	s29 =	simm.s32 $0x9;
	_ =	strace $0x8000004E  }
0xb3: {  	_ =	swait.ge [sflag:s29], $0x1  }
0xb4: {  	[sflag:s29] =	ssyncadd.s32 $0xFFFFFFFF  }
0xb5: {  	_ =	strace $0x9000004E  }
0xb6: {  	_ =	sfence  }
0xb7: {  	s30 =	sld [smem:$0x0];
	_ =	sdelay $0x2  }
0xb8: {  	s31 =	sshll.u32 s1, $0xD;
	s1 =	sshrl.u32 s1, $0x2  }
0xb9: {  	s3 =	sand.u32 $0x4000, s31;
	s1 =	sadd.s32 s1, s30  }
0xba: {  	s0 =	sor.u32 s3, s0;
	s1 =	sshll.u32 s1, $0x11  }
0xbb: {  	s0 =	sor.u32 s1, s0  }
0xbc: {  	s0 =	sadd.s32 $0x8F2B, s0  }
0xbd: {  	[sflag:s0] =	ssyncadd.remote.s32 $0x1  }
0xbe: {  	_ =	sfence.sel $0xFFFF  }
0xbf: {  	[dreg:$0x0] =	wrdreg $0xFFFFFFFF;
	(pc) =	sbr.abs _section_cstart, $3  }
0xc0: {  	[dreg:$0x1] =	wrdreg $0xFFFFFFFF  }
0xc1: {  	_ =	task.clear_ibuf [dreg:s7], $0x2FFFF;
	_ =	strace $0x9FFFFFFF  }
0xc2: {  	(tm) =	ssettm $0x7FFFFFFF  }
0xc3: {  	_ =	shalt  }
tec
execute0_lowered:
.L_overlay_start_1:
0x0: {  	(tag) =	ssettag $0x1  }
0x1: {  	s2 =	rddreg [dreg:$0x0]  }
0x2: {  	s0 =	rddreg [dreg:$0x1]  }
0x3: {  	s1 =	srdreg.scid;
	s4 =	stileid.u32  }
0x4: {  	s3 =	simm.s32 $0x0;
	s15 =	simm.s32 $0x14000;
	s16 =	simm.s32 $0x4000  }
0x5: {  	s17 =	simm.s32 $0x1;
	s18 =	simm.s32 $0x5;
	s19 =	simm.s32 $0x8000  }
0x6: {  	s20 =	simm.s32 $0x2;
	s21 =	simm.s32 $0xC000;
	s22 =	simm.s32 $0x3  }
0x7: {  	s23 =	simm.s32 $0x4;
	s24 =	simm.s32 $0x6;
	s25 =	simm.s32 $0x0  }
0x8: {  	s1 =	sand.u32 $0x1, s1;
	s4 =	sshll.u32 s4, $0x1;
	[smem:$0x7FF] =	sst s3  }
0x9: {  	s5 =	sadd.s32 $0x200C00, s0;
	s10 =	sadd.s32 $0x200000, s2;
	s6 =	sor.u32 s1, s4  }
.Ltmp0:
0xa: {  	_ =	strace $0x8000004D;
	s1 =	ssub.s32 $0x2, s1;
	(pc) =	sbr.rel .LBB2_1-.Ltmp0, $4  }
0xb: {  	s4 =	sshll.u32 s6, $0x10;
	s30 =	sshrl.u32 s1, $0x1;
	s6 =	sshll.u32 s6, $0x13  }
0xc: {  	s9 =	sadd.s32 s4, s0;
	s0 =	ssub.s32 s1, s30;
	s8 =	sadd.s32 s2, s4  }
0xd: {  	s11 =	sadd.s32 s4, s10;
	s7 =	sadd.s32 $0xC00, s9;
	s31 =	sadd.s32 $0x1400, s9  }
0xe: {  	s12 =	sadd.s32 $0x2400, s9;
	s13 =	smax.u32 s0, $0x1;
	[dreg:$0x3] =	wrdreg s31  }
.LBB2_20:
0xf: {  	s25 =	sadd.s32 $0x1, s25  }
0x10: {  	_ =	swait.ge [sflag:s22], $0x4000;
	p0 =	sne.s32 s25, s13  }
.Ltmp1:
0x11: {  	[sflag:s22] =	ssyncset.done $0x0;
	(pc) =	sbr.rel @!p0 .LBB2_21-.Ltmp1, $4  }
0x12: {  	[sflag:s22] =	ssyncadd.s32 $0xFFFFC000  }
0x13: {  	_ =	swait.ge [sflag:s23], $0x4000  }
0x14: {  	[sflag:s23] =	ssyncset.done $0x0  }
0x15: {  	[sflag:s23] =	ssyncadd.s32 $0xFFFFC000  }
.LBB2_1:
0x16: {  	s0 =	simm.s32 $0x10000  }
0x17: {  	[tilespmem:s0], [sflag:$0x5] =	stream.linear.gather [hbm4b:s7+s3], $0x4000, $0x38;
	[tilespmem:$0x18000] =	vst v63  }
0x18: {  	_ = 	snop  }
0x19: {  	[tilespmem:s3], [sflag:$0x1] =	stream.linear.gather [hbm4b:s8+s3], $0x4000, $0x38;
	[tilespmem:$0x18000] =	vst v63  }
0x1a: {  	s31 =	rddreg [dreg:$0x3]  }
0x1b: {  	[tilespmem:s15], [sflag:$0x6] =	stream.linear.gather [hbm4b:s31+s3], $0x4000, $0x38;
	[tilespmem:$0x18000] =	vst v63  }
0x1c: {  	s26 =	simm.s32 $0x0  }
0x1d: {  	[tilespmem:s16], [sflag:$0x2] =	stream.linear.gather [hbm4b:s11+s3], $0x4000, $0x38;
	[tilespmem:$0x18000] =	vst v63  }
.LBB2_2:
0x1e: {  	_ =	swait.ge [sflag:s17], $0x4000  }
0x1f: {  	[sflag:s17] =	ssyncset.done $0x0  }
0x20: {  	[sflag:s17] =	ssyncadd.s32 $0xFFFFC000  }
0x21: {  	_ =	swait.ge [sflag:s18], $0x4000  }
0x22: {  	p0 =	seq.s32 s26, $0x0;
	[sflag:s18] =	ssyncset.done $0x0  }
0x23: {  	s0 =	simm.s32 @!p0 $0x3;
	[sflag:s18] =	ssyncadd.s32 $0xFFFFC000  }
0x24: {  	_ =	swait.ge @!p0 [sflag:s0], $0x4000  }
0x25: {  	[sflag:s0] =	ssyncset.done @!p0 $0x0  }
0x26: {  	s9 =	simm.s32 $0x80;
	[sflag:s0] =	ssyncadd.s32 @!p0 $0xFFFFC000  }
0x27: {  	s28 =	simm.s32 $0x10080;
	v1 =	vld [tilespmem:s9+$0x70]  }
0x28: {  	v2 =	vld [tilespmem:s28+$0x70]  }
0x29: {  	v0 =	vld [tilespmem:s28+$0xFFFFFF80]  }
0x2a: {  	v3 =	vld [tilespmem:s9+$0xFFFFFF90]  }
0x2b: {  	v4 =	vld [tilespmem:s28+$0xFFFFFF90]  }
0x2c: {  	v5 =	vld [tilespmem:s9+$0xFFFFFFA0]  }
0x2d: {  	v6 =	vld [tilespmem:s28+$0xFFFFFFA0]  }
0x2e: {  	v7 =	vld [tilespmem:s9+$0xFFFFFFB0]  }
0x2f: {  	v8 =	vld [tilespmem:s28+$0xFFFFFFB0]  }
0x30: {  	v9 =	vld [tilespmem:s9+$0xFFFFFFC0]  }
0x31: {  	v10 =	vld [tilespmem:s28+$0xFFFFFFC0]  }
0x32: {  	v11 =	vld [tilespmem:s9+$0xFFFFFFD0]  }
0x33: {  	v12 =	vld [tilespmem:s28+$0xFFFFFFD0]  }
0x34: {  	v13 =	vld [tilespmem:s9+$0xFFFFFFE0]  }
0x35: {  	v14 =	vld [tilespmem:s28+$0xFFFFFFE0]  }
0x36: {  	v15 =	vld [tilespmem:s9+$0xFFFFFFF0]  }
0x37: {  	v16 =	vld [tilespmem:s28+$0xFFFFFFF0]  }
0x38: {  	v17 =	vld [tilespmem:s9+$0x0]  }
0x39: {  	v61 =	vld [tilespmem:s28+$0x30];
	v1 =	vmul.f32 v2, v1  }
0x3a: {  	s0 =	simm.s32 $0x8080;
	v2 =	vld [tilespmem:s28+$0x0];
	v3 =	vmul.f32 v4, v3  }
0x3b: {  	v4 =	vld [tilespmem:s9+$0x10];
	[tilespmem:s0+$0x70] =	vst v1;
	v1 =	vmul.f32 v6, v5  }
0x3c: {  	v5 =	vld [tilespmem:s28+$0x10];
	[tilespmem:s0+$0xFFFFFF90] =	vst v3;
	v3 =	vmul.f32 v8, v7  }
0x3d: {  	v6 =	vld [tilespmem:s9+$0x20];
	[tilespmem:s0+$0xFFFFFFA0] =	vst v1;
	v1 =	vmul.f32 v10, v9  }
0x3e: {  	v7 =	vld [tilespmem:s28+$0x20];
	[tilespmem:s0+$0xFFFFFFB0] =	vst v3;
	v3 =	vmul.f32 v12, v11  }
0x3f: {  	v8 =	vld [tilespmem:s9+$0x30];
	v2 =	vmul.f32 v2, v17;
	[tilespmem:s0+$0xFFFFFFC0] =	vst v1  }
0x40: {  	v62 =	vld [tilespmem:s9+$0x40];
	v1 =	vmul.f32 v14, v13;
	[tilespmem:s0+$0xFFFFFFD0] =	vst v3  }
0x41: {  	v63 =	vld [tilespmem:s28+$0x40];
	v3 =	vmul.f32 v16, v15;
	[tilespmem:s0+$0x0] =	vst v2  }
0x42: {  	v4 =	vmul.f32 v5, v4;
	[tilespmem:s0+$0xFFFFFFE0] =	vst v1;
	v1 =	vld [tilespmem:s9+$0x50]  }
0x43: {  	v5 =	vmul.f32 v7, v6;
	[tilespmem:s0+$0xFFFFFFF0] =	vst v3;
	v3 =	vld [tilespmem:s28+$0x50]  }
0x44: {  	v6 =	vmul.f32 v61, v8;
	v2 =	vld [tilespmem:s9+$0x60];
	[tilespmem:s0+$0x10] =	vst v4  }
0x45: {  	[tilespmem:s0+$0x20] =	vst v5;
	v5 =	vld [tilespmem:s28+$0x60]  }
0x46: {  	s29 =	sshll.u32 s26, $0x1;
	s1 =	simm.s32 $0x0;
	s14 =	simm.s32 $0x180;
	v4 =	vld [tilespmem:s9+$0xFFFFFF80];
	[tilespmem:s0+$0x30] =	vst v6;
	v6 =	vmul.f32 v63, v62  }
.LBB2_3:
0x47: {  	v7 =	vld [tilespmem:s14+$0x70];
	s28 =	sadd.s32 $0x100, s28  }
0x48: {  	s1 =	sadd.s32 $0x100, s1;
	v8 =	vld [tilespmem:s28+$0x70];
	[tilespmem:s0+$0x40] =	vst v6;
	v1 =	vmul.f32 v3, v1  }
0x49: {  	p1 =	slt.u32 s1, $0x3F00;
	v3 =	vld [tilespmem:s28+$0xFFFFFF80]  }
0x4a: {  	v6 =	vld [tilespmem:s14+$0xFFFFFF90];
	[tilespmem:s0+$0x50] =	vst v1;
	v1 =	vmul.f32 v5, v2  }
0x4b: {  	v2 =	vld [tilespmem:s28+$0xFFFFFF90];
	v9 =	vmul.f32 v0, v4  }
0x4c: {  	v4 =	vld [tilespmem:s14+$0xFFFFFFA0];
	[tilespmem:s0+$0x60] =	vst v1  }
0x4d: {  	v1 =	vld [tilespmem:s28+$0xFFFFFFA0];
	v5 =	vmul.f32 v8, v7;
	[tilespmem:s0+$0xFFFFFF80] =	vst v9  }
0x4e: {  	s0 =	sadd.s32 $0x100, s0;
	v7 =	vld [tilespmem:s14+$0xFFFFFFB0];
	v0 =	vmov v3  }
0x4f: {  	v3 =	vld [tilespmem:s28+$0xFFFFFFB0];
	[tilespmem:s0+$0x70] =	vst v5  }
0x50: {  	v2 =	vmul.f32 v2, v6;
	v5 =	vld [tilespmem:s14+$0xFFFFFFC0]  }
0x51: {  	v6 =	vld [tilespmem:s28+$0xFFFFFFC0]  }
0x52: {  	[tilespmem:s0+$0xFFFFFF90] =	vst v2;
	v1 =	vmul.f32 v1, v4;
	v2 =	vld [tilespmem:s14+$0xFFFFFFD0]  }
0x53: {  	v4 =	vld [tilespmem:s28+$0xFFFFFFD0]  }
0x54: {  	[tilespmem:s0+$0xFFFFFFA0] =	vst v1;
	v1 =	vmul.f32 v3, v7;
	v3 =	vld [tilespmem:s14+$0xFFFFFFE0]  }
0x55: {  	v7 =	vld [tilespmem:s28+$0xFFFFFFE0]  }
0x56: {  	[tilespmem:s0+$0xFFFFFFB0] =	vst v1;
	v1 =	vmul.f32 v6, v5;
	v5 =	vld [tilespmem:s14+$0xFFFFFFF0]  }
0x57: {  	v6 =	vld [tilespmem:s28+$0xFFFFFFF0]  }
0x58: {  	[tilespmem:s0+$0xFFFFFFC0] =	vst v1;
	v1 =	vmul.f32 v4, v2;
	v2 =	vld [tilespmem:s14+$0x0]  }
0x59: {  	v4 =	vld [tilespmem:s28+$0x0]  }
0x5a: {  	[tilespmem:s0+$0xFFFFFFD0] =	vst v1;
	v1 =	vmul.f32 v7, v3;
	v3 =	vld [tilespmem:s14+$0x10]  }
0x5b: {  	v7 =	vld [tilespmem:s28+$0x10]  }
0x5c: {  	[tilespmem:s0+$0xFFFFFFE0] =	vst v1;
	v1 =	vmul.f32 v6, v5;
	v5 =	vld [tilespmem:s14+$0x20]  }
0x5d: {  	v6 =	vld [tilespmem:s28+$0x20]  }
0x5e: {  	[tilespmem:s0+$0xFFFFFFF0] =	vst v1;
	v1 =	vmul.f32 v4, v2;
	v2 =	vld [tilespmem:s14+$0x30]  }
0x5f: {  	v4 =	vld [tilespmem:s28+$0x30]  }
0x60: {  	[tilespmem:s0+$0x0] =	vst v1;
	v1 =	vmul.f32 v7, v3;
	v7 =	vld [tilespmem:s14+$0x40]  }
0x61: {  	v8 =	vld [tilespmem:s28+$0x40]  }
.Ltmp2:
0x62: {  	[tilespmem:s0+$0x10] =	vst v1;
	v5 =	vmul.f32 v6, v5;
	v1 =	vld [tilespmem:s14+$0x50];
	(pc) =	sbr.rel @p1 .LBB2_3-.Ltmp2, $4  }
0x63: {  	v3 =	vld [tilespmem:s28+$0x50]  }
0x64: {  	[tilespmem:s0+$0x20] =	vst v5;
	v6 =	vmul.f32 v4, v2;
	v2 =	vld [tilespmem:s14+$0x60]  }
0x65: {  	v5 =	vld [tilespmem:s28+$0x60]  }
0x66: {  	v4 =	vld [tilespmem:s14+$0xFFFFFF80];
	[tilespmem:s0+$0x30] =	vst v6;
	v6 =	vmul.f32 v8, v7;
	s14 =	sadd.s32 $0x100, s14  }
0x67: {  	_ =	sdelay $0x1  }
0x68: {  	v1 =	vmul.f32 v3, v1  }
0x69: {  	s1 =	sshll.u32 s26, $0xF;
	[tilespmem:s0+$0x40] =	vst v6;
	v2 =	vmul.f32 v5, v2  }
0x6a: {  	s1 =	sadd.s32 s6, s1;
	[tilespmem:s0+$0x50] =	vst v1;
	v0 =	vmul.f32 v0, v4  }
0x6b: {  	s30 =	sshrl.u32 s1, $0x3;
	[tilespmem:s0+$0x60] =	vst v2  }
0x6c: {  	s9 =	sadd.s32 s5, s30;
	s28 =	sor.u32 $0x400000, s30;
	[tilespmem:s0+$0xFFFFFF80] =	vst v0  }
0x6d: {  	[hbm4b:s9+s3] =	stream.linear.scatter [tilespmem:s19], [sflag:$0x3], $0x4000, $0x38;
	[tilespmem:$0x18000] =	vst v63  }
0x6e: {  	s14 =	sadd.s32 s2, s28  }
0x6f: {  	[tilespmem:s3], [sflag:$0x1] =	stream.linear.gather [hbm4b:s14+s3], $0x4000, $0x38;
	[tilespmem:$0x18000] =	vst v63  }
0x70: {  	_ =	swait.ge [sflag:s20], $0x4000  }
0x71: {  	[sflag:s20] =	ssyncset.done $0x0  }
0x72: {  	s0 =	simm.s32 @!p0 $0x4;
	[sflag:s20] =	ssyncadd.s32 $0xFFFFC000  }
0x73: {  	_ =	swait.ge @!p0 [sflag:s0], $0x4000  }
0x74: {  	[sflag:s0] =	ssyncset.done @!p0 $0x0  }
0x75: {  	s9 =	simm.s32 $0x4080;
	[sflag:s0] =	ssyncadd.s32 @!p0 $0xFFFFC000  }
0x76: {  	s31 =	simm.s32 $0x10080;
	v1 =	vld [tilespmem:s9+$0x70]  }
0x77: {  	v2 =	vld [tilespmem:s31+$0x70]  }
0x78: {  	v0 =	vld [tilespmem:s31+$0xFFFFFF80]  }
0x79: {  	v3 =	vld [tilespmem:s9+$0xFFFFFF90]  }
0x7a: {  	v4 =	vld [tilespmem:s31+$0xFFFFFF90]  }
0x7b: {  	v5 =	vld [tilespmem:s9+$0xFFFFFFA0]  }
0x7c: {  	v6 =	vld [tilespmem:s31+$0xFFFFFFA0]  }
0x7d: {  	v7 =	vld [tilespmem:s9+$0xFFFFFFB0]  }
0x7e: {  	v8 =	vld [tilespmem:s31+$0xFFFFFFB0]  }
0x7f: {  	v9 =	vld [tilespmem:s9+$0xFFFFFFC0]  }
0x80: {  	v10 =	vld [tilespmem:s31+$0xFFFFFFC0]  }
0x81: {  	v11 =	vld [tilespmem:s9+$0xFFFFFFD0]  }
0x82: {  	v12 =	vld [tilespmem:s31+$0xFFFFFFD0]  }
0x83: {  	v13 =	vld [tilespmem:s9+$0xFFFFFFE0]  }
0x84: {  	v14 =	vld [tilespmem:s31+$0xFFFFFFE0]  }
0x85: {  	v15 =	vld [tilespmem:s9+$0xFFFFFFF0]  }
0x86: {  	v16 =	vld [tilespmem:s31+$0xFFFFFFF0]  }
0x87: {  	v17 =	vld [tilespmem:s9+$0x0]  }
0x88: {  	v61 =	vld [tilespmem:s31+$0x30];
	v1 =	vmul.f32 v2, v1  }
0x89: {  	s0 =	simm.s32 $0xC080;
	v2 =	vld [tilespmem:s31+$0x0];
	v3 =	vmul.f32 v4, v3  }
0x8a: {  	v4 =	vld [tilespmem:s9+$0x10];
	[tilespmem:s0+$0x70] =	vst v1;
	v1 =	vmul.f32 v6, v5  }
0x8b: {  	v5 =	vld [tilespmem:s31+$0x10];
	[tilespmem:s0+$0xFFFFFF90] =	vst v3;
	v3 =	vmul.f32 v8, v7  }
0x8c: {  	v6 =	vld [tilespmem:s9+$0x20];
	[tilespmem:s0+$0xFFFFFFA0] =	vst v1;
	v1 =	vmul.f32 v10, v9  }
0x8d: {  	v7 =	vld [tilespmem:s31+$0x20];
	[tilespmem:s0+$0xFFFFFFB0] =	vst v3;
	v3 =	vmul.f32 v12, v11  }
0x8e: {  	v8 =	vld [tilespmem:s9+$0x30];
	v2 =	vmul.f32 v2, v17;
	[tilespmem:s0+$0xFFFFFFC0] =	vst v1  }
0x8f: {  	v62 =	vld [tilespmem:s9+$0x40];
	v1 =	vmul.f32 v14, v13;
	[tilespmem:s0+$0xFFFFFFD0] =	vst v3  }
0x90: {  	v63 =	vld [tilespmem:s31+$0x40];
	v3 =	vmul.f32 v16, v15;
	[tilespmem:s0+$0x0] =	vst v2  }
0x91: {  	v4 =	vmul.f32 v5, v4;
	[tilespmem:s0+$0xFFFFFFE0] =	vst v1;
	v1 =	vld [tilespmem:s9+$0x50]  }
0x92: {  	v5 =	vmul.f32 v7, v6;
	[tilespmem:s0+$0xFFFFFFF0] =	vst v3;
	v3 =	vld [tilespmem:s31+$0x50]  }
0x93: {  	v6 =	vmul.f32 v61, v8;
	v2 =	vld [tilespmem:s9+$0x60];
	[tilespmem:s0+$0x10] =	vst v4  }
0x94: {  	[tilespmem:s0+$0x20] =	vst v5;
	v5 =	vld [tilespmem:s31+$0x60]  }
0x95: {  	s1 =	simm.s32 $0x0;
	s14 =	simm.s32 $0x4180;
	v4 =	vld [tilespmem:s9+$0xFFFFFF80];
	[tilespmem:s0+$0x30] =	vst v6;
	v6 =	vmul.f32 v63, v62  }
.LBB2_5:
0x96: {  	v7 =	vld [tilespmem:s14+$0x70];
	s31 =	sadd.s32 $0x100, s31  }
0x97: {  	s1 =	sadd.s32 $0x100, s1;
	v8 =	vld [tilespmem:s31+$0x70];
	[tilespmem:s0+$0x40] =	vst v6;
	v1 =	vmul.f32 v3, v1  }
0x98: {  	p0 =	slt.u32 s1, $0x3F00;
	v3 =	vld [tilespmem:s31+$0xFFFFFF80]  }
0x99: {  	v6 =	vld [tilespmem:s14+$0xFFFFFF90];
	[tilespmem:s0+$0x50] =	vst v1;
	v1 =	vmul.f32 v5, v2  }
0x9a: {  	v2 =	vld [tilespmem:s31+$0xFFFFFF90];
	v9 =	vmul.f32 v0, v4  }
0x9b: {  	v4 =	vld [tilespmem:s14+$0xFFFFFFA0];
	[tilespmem:s0+$0x60] =	vst v1  }
0x9c: {  	v1 =	vld [tilespmem:s31+$0xFFFFFFA0];
	v5 =	vmul.f32 v8, v7;
	[tilespmem:s0+$0xFFFFFF80] =	vst v9  }
0x9d: {  	s0 =	sadd.s32 $0x100, s0;
	v7 =	vld [tilespmem:s14+$0xFFFFFFB0];
	v0 =	vmov v3  }
0x9e: {  	v3 =	vld [tilespmem:s31+$0xFFFFFFB0];
	[tilespmem:s0+$0x70] =	vst v5  }
0x9f: {  	v2 =	vmul.f32 v2, v6;
	v5 =	vld [tilespmem:s14+$0xFFFFFFC0]  }
0xa0: {  	v6 =	vld [tilespmem:s31+$0xFFFFFFC0]  }
0xa1: {  	[tilespmem:s0+$0xFFFFFF90] =	vst v2;
	v1 =	vmul.f32 v1, v4;
	v2 =	vld [tilespmem:s14+$0xFFFFFFD0]  }
0xa2: {  	v4 =	vld [tilespmem:s31+$0xFFFFFFD0]  }
0xa3: {  	[tilespmem:s0+$0xFFFFFFA0] =	vst v1;
	v1 =	vmul.f32 v3, v7;
	v3 =	vld [tilespmem:s14+$0xFFFFFFE0]  }
0xa4: {  	v7 =	vld [tilespmem:s31+$0xFFFFFFE0]  }
0xa5: {  	[tilespmem:s0+$0xFFFFFFB0] =	vst v1;
	v1 =	vmul.f32 v6, v5;
	v5 =	vld [tilespmem:s14+$0xFFFFFFF0]  }
0xa6: {  	v6 =	vld [tilespmem:s31+$0xFFFFFFF0]  }
0xa7: {  	[tilespmem:s0+$0xFFFFFFC0] =	vst v1;
	v1 =	vmul.f32 v4, v2;
	v2 =	vld [tilespmem:s14+$0x0]  }
0xa8: {  	v4 =	vld [tilespmem:s31+$0x0]  }
0xa9: {  	[tilespmem:s0+$0xFFFFFFD0] =	vst v1;
	v1 =	vmul.f32 v7, v3;
	v3 =	vld [tilespmem:s14+$0x10]  }
0xaa: {  	v7 =	vld [tilespmem:s31+$0x10]  }
0xab: {  	[tilespmem:s0+$0xFFFFFFE0] =	vst v1;
	v1 =	vmul.f32 v6, v5;
	v5 =	vld [tilespmem:s14+$0x20]  }
0xac: {  	v6 =	vld [tilespmem:s31+$0x20]  }
0xad: {  	[tilespmem:s0+$0xFFFFFFF0] =	vst v1;
	v1 =	vmul.f32 v4, v2;
	v2 =	vld [tilespmem:s14+$0x30]  }
0xae: {  	v4 =	vld [tilespmem:s31+$0x30]  }
0xaf: {  	[tilespmem:s0+$0x0] =	vst v1;
	v1 =	vmul.f32 v7, v3;
	v7 =	vld [tilespmem:s14+$0x40]  }
0xb0: {  	v8 =	vld [tilespmem:s31+$0x40]  }
.Ltmp3:
0xb1: {  	[tilespmem:s0+$0x10] =	vst v1;
	v5 =	vmul.f32 v6, v5;
	v1 =	vld [tilespmem:s14+$0x50];
	(pc) =	sbr.rel @p0 .LBB2_5-.Ltmp3, $4  }
0xb2: {  	v3 =	vld [tilespmem:s31+$0x50]  }
0xb3: {  	[tilespmem:s0+$0x20] =	vst v5;
	v6 =	vmul.f32 v4, v2;
	v2 =	vld [tilespmem:s14+$0x60]  }
0xb4: {  	v5 =	vld [tilespmem:s31+$0x60]  }
0xb5: {  	v4 =	vld [tilespmem:s14+$0xFFFFFF80];
	[tilespmem:s0+$0x30] =	vst v6;
	v6 =	vmul.f32 v8, v7;
	s14 =	sadd.s32 $0x100, s14  }
0xb6: {  	_ =	sdelay $0x1  }
0xb7: {  	v1 =	vmul.f32 v3, v1  }
0xb8: {  	[tilespmem:s0+$0x40] =	vst v6;
	v2 =	vmul.f32 v5, v2  }
0xb9: {  	[tilespmem:s0+$0x50] =	vst v1;
	v0 =	vmul.f32 v0, v4  }
0xba: {  	s1 =	sor.u32 $0x200000, s30;
	[tilespmem:s0+$0x60] =	vst v2  }
0xbb: {  	s30 =	sor.u32 $0x600000, s30;
	s9 =	sadd.s32 s5, s1;
	[tilespmem:s0+$0xFFFFFF80] =	vst v0  }
0xbc: {  	[hbm4b:s9+s3] =	stream.linear.scatter [tilespmem:s21], [sflag:$0x4], $0x4000, $0x38;
	[tilespmem:$0x18000] =	vst v63  }
0xbd: {  	s14 =	sadd.s32 s2, s30  }
0xbe: {  	[tilespmem:s16], [sflag:$0x2] =	stream.linear.gather [hbm4b:s14+s3], $0x4000, $0x38;
	[tilespmem:$0x18000] =	vst v63  }
0xbf: {  	_ =	swait.ge [sflag:s17], $0x4000  }
0xc0: {  	[sflag:s17] =	ssyncset.done $0x0  }
0xc1: {  	[sflag:s17] =	ssyncadd.s32 $0xFFFFC000  }
0xc2: {  	_ =	swait.ge [sflag:s22], $0x4000  }
0xc3: {  	[sflag:s22] =	ssyncset.done $0x0  }
0xc4: {  	s9 =	simm.s32 $0x80;
	[sflag:s22] =	ssyncadd.s32 $0xFFFFC000  }
0xc5: {  	s31 =	simm.s32 $0x10080;
	v1 =	vld [tilespmem:s9+$0x70]  }
0xc6: {  	v2 =	vld [tilespmem:s31+$0x70]  }
0xc7: {  	v0 =	vld [tilespmem:s31+$0xFFFFFF80]  }
0xc8: {  	v3 =	vld [tilespmem:s9+$0xFFFFFF90]  }
0xc9: {  	v4 =	vld [tilespmem:s31+$0xFFFFFF90]  }
0xca: {  	v5 =	vld [tilespmem:s9+$0xFFFFFFA0]  }
0xcb: {  	v6 =	vld [tilespmem:s31+$0xFFFFFFA0]  }
0xcc: {  	v7 =	vld [tilespmem:s9+$0xFFFFFFB0]  }
0xcd: {  	v8 =	vld [tilespmem:s31+$0xFFFFFFB0]  }
0xce: {  	v9 =	vld [tilespmem:s9+$0xFFFFFFC0]  }
0xcf: {  	v10 =	vld [tilespmem:s31+$0xFFFFFFC0]  }
0xd0: {  	v11 =	vld [tilespmem:s9+$0xFFFFFFD0]  }
0xd1: {  	v12 =	vld [tilespmem:s31+$0xFFFFFFD0]  }
0xd2: {  	v13 =	vld [tilespmem:s9+$0xFFFFFFE0]  }
0xd3: {  	v14 =	vld [tilespmem:s31+$0xFFFFFFE0]  }
0xd4: {  	v15 =	vld [tilespmem:s9+$0xFFFFFFF0]  }
0xd5: {  	v16 =	vld [tilespmem:s31+$0xFFFFFFF0]  }
0xd6: {  	v17 =	vld [tilespmem:s9+$0x0]  }
0xd7: {  	v61 =	vld [tilespmem:s31+$0x30];
	v1 =	vmul.f32 v2, v1  }
0xd8: {  	s0 =	simm.s32 $0x8080;
	v2 =	vld [tilespmem:s31+$0x0];
	v3 =	vmul.f32 v4, v3  }
0xd9: {  	v4 =	vld [tilespmem:s9+$0x10];
	[tilespmem:s0+$0x70] =	vst v1;
	v1 =	vmul.f32 v6, v5  }
0xda: {  	v5 =	vld [tilespmem:s31+$0x10];
	[tilespmem:s0+$0xFFFFFF90] =	vst v3;
	v3 =	vmul.f32 v8, v7  }
0xdb: {  	v6 =	vld [tilespmem:s9+$0x20];
	[tilespmem:s0+$0xFFFFFFA0] =	vst v1;
	v1 =	vmul.f32 v10, v9  }
0xdc: {  	v7 =	vld [tilespmem:s31+$0x20];
	[tilespmem:s0+$0xFFFFFFB0] =	vst v3;
	v3 =	vmul.f32 v12, v11  }
0xdd: {  	v8 =	vld [tilespmem:s9+$0x30];
	v2 =	vmul.f32 v2, v17;
	[tilespmem:s0+$0xFFFFFFC0] =	vst v1  }
0xde: {  	v62 =	vld [tilespmem:s9+$0x40];
	v1 =	vmul.f32 v14, v13;
	[tilespmem:s0+$0xFFFFFFD0] =	vst v3  }
0xdf: {  	v63 =	vld [tilespmem:s31+$0x40];
	v3 =	vmul.f32 v16, v15;
	[tilespmem:s0+$0x0] =	vst v2  }
0xe0: {  	v4 =	vmul.f32 v5, v4;
	[tilespmem:s0+$0xFFFFFFE0] =	vst v1;
	v1 =	vld [tilespmem:s9+$0x50]  }
0xe1: {  	v5 =	vmul.f32 v7, v6;
	[tilespmem:s0+$0xFFFFFFF0] =	vst v3;
	v3 =	vld [tilespmem:s31+$0x50]  }
0xe2: {  	v6 =	vmul.f32 v61, v8;
	v2 =	vld [tilespmem:s9+$0x60];
	[tilespmem:s0+$0x10] =	vst v4  }
0xe3: {  	[tilespmem:s0+$0x20] =	vst v5;
	v5 =	vld [tilespmem:s31+$0x60]  }
0xe4: {  	s1 =	simm.s32 $0x0;
	s14 =	simm.s32 $0x180;
	v4 =	vld [tilespmem:s9+$0xFFFFFF80];
	[tilespmem:s0+$0x30] =	vst v6;
	v6 =	vmul.f32 v63, v62  }
.LBB2_7:
0xe5: {  	v7 =	vld [tilespmem:s14+$0x70];
	s31 =	sadd.s32 $0x100, s31  }
0xe6: {  	s1 =	sadd.s32 $0x100, s1;
	v8 =	vld [tilespmem:s31+$0x70];
	[tilespmem:s0+$0x40] =	vst v6;
	v1 =	vmul.f32 v3, v1  }
0xe7: {  	p0 =	slt.u32 s1, $0x3F00;
	v3 =	vld [tilespmem:s31+$0xFFFFFF80]  }
0xe8: {  	v6 =	vld [tilespmem:s14+$0xFFFFFF90];
	[tilespmem:s0+$0x50] =	vst v1;
	v1 =	vmul.f32 v5, v2  }
0xe9: {  	v2 =	vld [tilespmem:s31+$0xFFFFFF90];
	v9 =	vmul.f32 v0, v4  }
0xea: {  	v4 =	vld [tilespmem:s14+$0xFFFFFFA0];
	[tilespmem:s0+$0x60] =	vst v1  }
0xeb: {  	v1 =	vld [tilespmem:s31+$0xFFFFFFA0];
	v5 =	vmul.f32 v8, v7;
	[tilespmem:s0+$0xFFFFFF80] =	vst v9  }
0xec: {  	s0 =	sadd.s32 $0x100, s0;
	v7 =	vld [tilespmem:s14+$0xFFFFFFB0];
	v0 =	vmov v3  }
0xed: {  	v3 =	vld [tilespmem:s31+$0xFFFFFFB0];
	[tilespmem:s0+$0x70] =	vst v5  }
0xee: {  	v2 =	vmul.f32 v2, v6;
	v5 =	vld [tilespmem:s14+$0xFFFFFFC0]  }
0xef: {  	v6 =	vld [tilespmem:s31+$0xFFFFFFC0]  }
0xf0: {  	[tilespmem:s0+$0xFFFFFF90] =	vst v2;
	v1 =	vmul.f32 v1, v4;
	v2 =	vld [tilespmem:s14+$0xFFFFFFD0]  }
0xf1: {  	v4 =	vld [tilespmem:s31+$0xFFFFFFD0]  }
0xf2: {  	[tilespmem:s0+$0xFFFFFFA0] =	vst v1;
	v1 =	vmul.f32 v3, v7;
	v3 =	vld [tilespmem:s14+$0xFFFFFFE0]  }
0xf3: {  	v7 =	vld [tilespmem:s31+$0xFFFFFFE0]  }
0xf4: {  	[tilespmem:s0+$0xFFFFFFB0] =	vst v1;
	v1 =	vmul.f32 v6, v5;
	v5 =	vld [tilespmem:s14+$0xFFFFFFF0]  }
0xf5: {  	v6 =	vld [tilespmem:s31+$0xFFFFFFF0]  }
0xf6: {  	[tilespmem:s0+$0xFFFFFFC0] =	vst v1;
	v1 =	vmul.f32 v4, v2;
	v2 =	vld [tilespmem:s14+$0x0]  }
0xf7: {  	v4 =	vld [tilespmem:s31+$0x0]  }
0xf8: {  	[tilespmem:s0+$0xFFFFFFD0] =	vst v1;
	v1 =	vmul.f32 v7, v3;
	v3 =	vld [tilespmem:s14+$0x10]  }
0xf9: {  	v7 =	vld [tilespmem:s31+$0x10]  }
0xfa: {  	[tilespmem:s0+$0xFFFFFFE0] =	vst v1;
	v1 =	vmul.f32 v6, v5;
	v5 =	vld [tilespmem:s14+$0x20]  }
0xfb: {  	v6 =	vld [tilespmem:s31+$0x20]  }
0xfc: {  	[tilespmem:s0+$0xFFFFFFF0] =	vst v1;
	v1 =	vmul.f32 v4, v2;
	v2 =	vld [tilespmem:s14+$0x30]  }
0xfd: {  	v4 =	vld [tilespmem:s31+$0x30]  }
0xfe: {  	[tilespmem:s0+$0x0] =	vst v1;
	v1 =	vmul.f32 v7, v3;
	v7 =	vld [tilespmem:s14+$0x40]  }
0xff: {  	v8 =	vld [tilespmem:s31+$0x40]  }
.Ltmp4:
0x100: {  	[tilespmem:s0+$0x10] =	vst v1;
	v5 =	vmul.f32 v6, v5;
	v1 =	vld [tilespmem:s14+$0x50];
	(pc) =	sbr.rel @p0 .LBB2_7-.Ltmp4, $4  }
0x101: {  	v3 =	vld [tilespmem:s31+$0x50]  }
0x102: {  	[tilespmem:s0+$0x20] =	vst v5;
	v6 =	vmul.f32 v4, v2;
	v2 =	vld [tilespmem:s14+$0x60]  }
0x103: {  	v5 =	vld [tilespmem:s31+$0x60]  }
0x104: {  	v4 =	vld [tilespmem:s14+$0xFFFFFF80];
	[tilespmem:s0+$0x30] =	vst v6;
	v6 =	vmul.f32 v8, v7;
	s14 =	sadd.s32 $0x100, s14  }
0x105: {  	_ =	sdelay $0x1  }
0x106: {  	v1 =	vmul.f32 v3, v1  }
0x107: {  	[tilespmem:s0+$0x40] =	vst v6;
	v2 =	vmul.f32 v5, v2  }
0x108: {  	s9 =	sadd.s32 s5, s28;
	s28 =	sor.u32 $0x1, s29;
	[tilespmem:s0+$0x50] =	vst v1;
	v0 =	vmul.f32 v0, v4  }
0x109: {  	s14 =	sshll.u32 s28, $0xB;
	[tilespmem:s0+$0x60] =	vst v2  }
0x10a: {  	s31 =	sadd.s32 s4, s14;
	[tilespmem:s0+$0xFFFFFF80] =	vst v0  }
0x10b: {  	[hbm4b:s9+s3] =	stream.linear.scatter [tilespmem:s19], [sflag:$0x3], $0x4000, $0x38;
	[tilespmem:$0x18000] =	vst v63  }
0x10c: {  	s0 =	sadd.s32 s2, s31  }
0x10d: {  	[tilespmem:s3], [sflag:$0x1] =	stream.linear.gather [hbm4b:s0+s3], $0x4000, $0x38;
	[tilespmem:$0x18000] =	vst v63  }
0x10e: {  	_ =	swait.ge [sflag:s20], $0x4000  }
0x10f: {  	[sflag:s20] =	ssyncset.done $0x0  }
0x110: {  	[sflag:s20] =	ssyncadd.s32 $0xFFFFC000  }
0x111: {  	_ =	swait.ge [sflag:s23], $0x4000  }
0x112: {  	[sflag:s23] =	ssyncset.done $0x0  }
0x113: {  	s9 =	simm.s32 $0x4080;
	[sflag:s23] =	ssyncadd.s32 $0xFFFFC000  }
0x114: {  	s0 =	simm.s32 $0x10080;
	v1 =	vld [tilespmem:s9+$0x70]  }
0x115: {  	v2 =	vld [tilespmem:s0+$0x70]  }
0x116: {  	v0 =	vld [tilespmem:s0+$0xFFFFFF80]  }
0x117: {  	v3 =	vld [tilespmem:s9+$0xFFFFFF90]  }
0x118: {  	v4 =	vld [tilespmem:s0+$0xFFFFFF90]  }
0x119: {  	v5 =	vld [tilespmem:s9+$0xFFFFFFA0]  }
0x11a: {  	v6 =	vld [tilespmem:s0+$0xFFFFFFA0]  }
0x11b: {  	v7 =	vld [tilespmem:s9+$0xFFFFFFB0]  }
0x11c: {  	v8 =	vld [tilespmem:s0+$0xFFFFFFB0]  }
0x11d: {  	v9 =	vld [tilespmem:s9+$0xFFFFFFC0]  }
0x11e: {  	v10 =	vld [tilespmem:s0+$0xFFFFFFC0]  }
0x11f: {  	v11 =	vld [tilespmem:s9+$0xFFFFFFD0]  }
0x120: {  	v12 =	vld [tilespmem:s0+$0xFFFFFFD0]  }
0x121: {  	v13 =	vld [tilespmem:s9+$0xFFFFFFE0]  }
0x122: {  	v14 =	vld [tilespmem:s0+$0xFFFFFFE0]  }
0x123: {  	v15 =	vld [tilespmem:s9+$0xFFFFFFF0]  }
0x124: {  	v16 =	vld [tilespmem:s0+$0xFFFFFFF0]  }
0x125: {  	v17 =	vld [tilespmem:s9+$0x0]  }
0x126: {  	v61 =	vld [tilespmem:s0+$0x30];
	v1 =	vmul.f32 v2, v1  }
0x127: {  	s1 =	simm.s32 $0xC080;
	v2 =	vld [tilespmem:s0+$0x0];
	v3 =	vmul.f32 v4, v3  }
0x128: {  	v4 =	vld [tilespmem:s9+$0x10];
	[tilespmem:s1+$0x70] =	vst v1;
	v1 =	vmul.f32 v6, v5  }
0x129: {  	v5 =	vld [tilespmem:s0+$0x10];
	[tilespmem:s1+$0xFFFFFF90] =	vst v3;
	v3 =	vmul.f32 v8, v7  }
0x12a: {  	v6 =	vld [tilespmem:s9+$0x20];
	[tilespmem:s1+$0xFFFFFFA0] =	vst v1;
	v1 =	vmul.f32 v10, v9  }
0x12b: {  	v7 =	vld [tilespmem:s0+$0x20];
	[tilespmem:s1+$0xFFFFFFB0] =	vst v3;
	v3 =	vmul.f32 v12, v11  }
0x12c: {  	v8 =	vld [tilespmem:s9+$0x30];
	v2 =	vmul.f32 v2, v17;
	[tilespmem:s1+$0xFFFFFFC0] =	vst v1  }
0x12d: {  	v62 =	vld [tilespmem:s9+$0x40];
	v1 =	vmul.f32 v14, v13;
	[tilespmem:s1+$0xFFFFFFD0] =	vst v3  }
0x12e: {  	v63 =	vld [tilespmem:s0+$0x40];
	v3 =	vmul.f32 v16, v15;
	[tilespmem:s1+$0x0] =	vst v2  }
0x12f: {  	v4 =	vmul.f32 v5, v4;
	[tilespmem:s1+$0xFFFFFFE0] =	vst v1;
	v1 =	vld [tilespmem:s9+$0x50]  }
0x130: {  	v5 =	vmul.f32 v7, v6;
	[tilespmem:s1+$0xFFFFFFF0] =	vst v3;
	v3 =	vld [tilespmem:s0+$0x50]  }
0x131: {  	v6 =	vmul.f32 v61, v8;
	v2 =	vld [tilespmem:s9+$0x60];
	[tilespmem:s1+$0x10] =	vst v4  }
0x132: {  	[tilespmem:s1+$0x20] =	vst v5;
	v5 =	vld [tilespmem:s0+$0x60]  }
0x133: {  	s14 =	simm.s32 $0x0;
	v4 =	vld [tilespmem:s9+$0xFFFFFF80];
	[tilespmem:s1+$0x30] =	vst v6;
	v6 =	vmul.f32 v63, v62;
	s9 =	simm.s32 $0x4180  }
.LBB2_9:
0x134: {  	v7 =	vld [tilespmem:s9+$0x70];
	s0 =	sadd.s32 $0x100, s0  }
0x135: {  	s14 =	sadd.s32 $0x100, s14;
	v8 =	vld [tilespmem:s0+$0x70];
	[tilespmem:s1+$0x40] =	vst v6;
	v1 =	vmul.f32 v3, v1  }
0x136: {  	p0 =	slt.u32 s14, $0x3F00;
	v3 =	vld [tilespmem:s0+$0xFFFFFF80]  }
0x137: {  	v6 =	vld [tilespmem:s9+$0xFFFFFF90];
	[tilespmem:s1+$0x50] =	vst v1;
	v1 =	vmul.f32 v5, v2  }
0x138: {  	v2 =	vld [tilespmem:s0+$0xFFFFFF90];
	v9 =	vmul.f32 v0, v4  }
0x139: {  	v4 =	vld [tilespmem:s9+$0xFFFFFFA0];
	[tilespmem:s1+$0x60] =	vst v1  }
0x13a: {  	v1 =	vld [tilespmem:s0+$0xFFFFFFA0];
	v5 =	vmul.f32 v8, v7;
	[tilespmem:s1+$0xFFFFFF80] =	vst v9  }
0x13b: {  	s1 =	sadd.s32 $0x100, s1;
	v7 =	vld [tilespmem:s9+$0xFFFFFFB0];
	v0 =	vmov v3  }
0x13c: {  	v3 =	vld [tilespmem:s0+$0xFFFFFFB0];
	[tilespmem:s1+$0x70] =	vst v5  }
0x13d: {  	v2 =	vmul.f32 v2, v6;
	v5 =	vld [tilespmem:s9+$0xFFFFFFC0]  }
0x13e: {  	v6 =	vld [tilespmem:s0+$0xFFFFFFC0]  }
0x13f: {  	[tilespmem:s1+$0xFFFFFF90] =	vst v2;
	v1 =	vmul.f32 v1, v4;
	v2 =	vld [tilespmem:s9+$0xFFFFFFD0]  }
0x140: {  	v4 =	vld [tilespmem:s0+$0xFFFFFFD0]  }
0x141: {  	[tilespmem:s1+$0xFFFFFFA0] =	vst v1;
	v1 =	vmul.f32 v3, v7;
	v3 =	vld [tilespmem:s9+$0xFFFFFFE0]  }
0x142: {  	v7 =	vld [tilespmem:s0+$0xFFFFFFE0]  }
0x143: {  	[tilespmem:s1+$0xFFFFFFB0] =	vst v1;
	v1 =	vmul.f32 v6, v5;
	v5 =	vld [tilespmem:s9+$0xFFFFFFF0]  }
0x144: {  	v6 =	vld [tilespmem:s0+$0xFFFFFFF0]  }
0x145: {  	[tilespmem:s1+$0xFFFFFFC0] =	vst v1;
	v1 =	vmul.f32 v4, v2;
	v2 =	vld [tilespmem:s9+$0x0]  }
0x146: {  	v4 =	vld [tilespmem:s0+$0x0]  }
0x147: {  	[tilespmem:s1+$0xFFFFFFD0] =	vst v1;
	v1 =	vmul.f32 v7, v3;
	v3 =	vld [tilespmem:s9+$0x10]  }
0x148: {  	v7 =	vld [tilespmem:s0+$0x10]  }
0x149: {  	[tilespmem:s1+$0xFFFFFFE0] =	vst v1;
	v1 =	vmul.f32 v6, v5;
	v5 =	vld [tilespmem:s9+$0x20]  }
0x14a: {  	v6 =	vld [tilespmem:s0+$0x20]  }
0x14b: {  	[tilespmem:s1+$0xFFFFFFF0] =	vst v1;
	v1 =	vmul.f32 v4, v2;
	v2 =	vld [tilespmem:s9+$0x30]  }
0x14c: {  	v4 =	vld [tilespmem:s0+$0x30]  }
0x14d: {  	[tilespmem:s1+$0x0] =	vst v1;
	v1 =	vmul.f32 v7, v3;
	v7 =	vld [tilespmem:s9+$0x40]  }
0x14e: {  	v8 =	vld [tilespmem:s0+$0x40]  }
.Ltmp5:
0x14f: {  	[tilespmem:s1+$0x10] =	vst v1;
	v5 =	vmul.f32 v6, v5;
	v1 =	vld [tilespmem:s9+$0x50];
	(pc) =	sbr.rel @p0 .LBB2_9-.Ltmp5, $4  }
0x150: {  	v3 =	vld [tilespmem:s0+$0x50]  }
0x151: {  	[tilespmem:s1+$0x20] =	vst v5;
	v6 =	vmul.f32 v4, v2;
	v2 =	vld [tilespmem:s9+$0x60]  }
0x152: {  	v5 =	vld [tilespmem:s0+$0x60]  }
0x153: {  	v4 =	vld [tilespmem:s9+$0xFFFFFF80];
	[tilespmem:s1+$0x30] =	vst v6;
	v6 =	vmul.f32 v8, v7;
	s9 =	sadd.s32 $0x100, s9  }
0x154: {  	_ =	sdelay $0x1  }
0x155: {  	v1 =	vmul.f32 v3, v1  }
0x156: {  	[tilespmem:s1+$0x40] =	vst v6;
	v2 =	vmul.f32 v5, v2  }
0x157: {  	[tilespmem:s1+$0x50] =	vst v1;
	v0 =	vmul.f32 v0, v4  }
0x158: {  	[tilespmem:s1+$0x60] =	vst v2  }
0x159: {  	s0 =	sadd.s32 s5, s30;
	s29 =	sadd.s32 $0x2, s29;
	p0 =	seq.s32 s26, $0xF;
	[tilespmem:s1+$0xFFFFFF80] =	vst v0  }
0x15a: {  	[hbm4b:s0+s3] =	stream.linear.scatter [tilespmem:s21], [sflag:$0x4], $0x4000, $0x38;
	[tilespmem:$0x18000] =	vst v63  }
0x15b: {  	s14 =	sadd.s32 s31, s10;
	s0 =	sshll.u32 @!p0 s29, $0xB  }
0x15c: {  	[tilespmem:s16], [sflag:$0x2] =	stream.linear.gather [hbm4b:s14+s3], $0x4000, $0x38;
	[tilespmem:$0x18000] =	vst v63  }
0x15d: {  	s9 =	simm.s32 @!p0 $0x10000;
	s1 =	simm.s32 @!p0 $0x0;
	s0 =	sadd.s32 @!p0 s0, s7  }
0x15e: {  	[tilespmem:s9], [sflag:$0x5] =	stream.linear.gather @!p0 [hbm4b:s0+s1], $0x4000, $0x38;
	[tilespmem:$0x18000] =	vst v63  }
0x15f: {  	_ =	swait.ge [sflag:s17], $0x4000  }
0x160: {  	[sflag:s17] =	ssyncset.done $0x0  }
0x161: {  	[sflag:s17] =	ssyncadd.s32 $0xFFFFC000  }
0x162: {  	_ =	swait.ge [sflag:s24], $0x4000  }
0x163: {  	[sflag:s24] =	ssyncset.done $0x0  }
0x164: {  	[sflag:s24] =	ssyncadd.s32 $0xFFFFC000  }
0x165: {  	_ =	swait.ge [sflag:s22], $0x4000  }
0x166: {  	[sflag:s22] =	ssyncset.done $0x0  }
0x167: {  	s30 =	simm.s32 $0x80;
	[sflag:s22] =	ssyncadd.s32 $0xFFFFC000  }
0x168: {  	s0 =	simm.s32 $0x14080;
	v1 =	vld [tilespmem:s30+$0x70]  }
0x169: {  	v2 =	vld [tilespmem:s0+$0x70]  }
0x16a: {  	v0 =	vld [tilespmem:s0+$0xFFFFFF80]  }
0x16b: {  	v3 =	vld [tilespmem:s30+$0xFFFFFF90]  }
0x16c: {  	v4 =	vld [tilespmem:s0+$0xFFFFFF90]  }
0x16d: {  	v5 =	vld [tilespmem:s30+$0xFFFFFFA0]  }
0x16e: {  	v6 =	vld [tilespmem:s0+$0xFFFFFFA0]  }
0x16f: {  	v7 =	vld [tilespmem:s30+$0xFFFFFFB0]  }
0x170: {  	v8 =	vld [tilespmem:s0+$0xFFFFFFB0]  }
0x171: {  	v9 =	vld [tilespmem:s30+$0xFFFFFFC0]  }
0x172: {  	v10 =	vld [tilespmem:s0+$0xFFFFFFC0]  }
0x173: {  	v11 =	vld [tilespmem:s30+$0xFFFFFFD0]  }
0x174: {  	v12 =	vld [tilespmem:s0+$0xFFFFFFD0]  }
0x175: {  	v13 =	vld [tilespmem:s30+$0xFFFFFFE0]  }
0x176: {  	v14 =	vld [tilespmem:s0+$0xFFFFFFE0]  }
0x177: {  	v15 =	vld [tilespmem:s30+$0xFFFFFFF0]  }
0x178: {  	v16 =	vld [tilespmem:s0+$0xFFFFFFF0]  }
0x179: {  	v17 =	vld [tilespmem:s30+$0x0]  }
0x17a: {  	v61 =	vld [tilespmem:s0+$0x30];
	v1 =	vmul.f32 v2, v1  }
0x17b: {  	s31 =	simm.s32 $0x8080;
	v2 =	vld [tilespmem:s0+$0x0];
	v3 =	vmul.f32 v4, v3  }
0x17c: {  	v4 =	vld [tilespmem:s30+$0x10];
	[tilespmem:s31+$0x70] =	vst v1;
	v1 =	vmul.f32 v6, v5  }
0x17d: {  	v5 =	vld [tilespmem:s0+$0x10];
	[tilespmem:s31+$0xFFFFFF90] =	vst v3;
	v3 =	vmul.f32 v8, v7  }
0x17e: {  	v6 =	vld [tilespmem:s30+$0x20];
	[tilespmem:s31+$0xFFFFFFA0] =	vst v1;
	v1 =	vmul.f32 v10, v9  }
0x17f: {  	v7 =	vld [tilespmem:s0+$0x20];
	[tilespmem:s31+$0xFFFFFFB0] =	vst v3;
	v3 =	vmul.f32 v12, v11  }
0x180: {  	v8 =	vld [tilespmem:s30+$0x30];
	v2 =	vmul.f32 v2, v17;
	[tilespmem:s31+$0xFFFFFFC0] =	vst v1  }
0x181: {  	v62 =	vld [tilespmem:s30+$0x40];
	v1 =	vmul.f32 v14, v13;
	[tilespmem:s31+$0xFFFFFFD0] =	vst v3  }
0x182: {  	v63 =	vld [tilespmem:s0+$0x40];
	v3 =	vmul.f32 v16, v15;
	[tilespmem:s31+$0x0] =	vst v2  }
0x183: {  	v4 =	vmul.f32 v5, v4;
	[tilespmem:s31+$0xFFFFFFE0] =	vst v1;
	v1 =	vld [tilespmem:s30+$0x50]  }
0x184: {  	v5 =	vmul.f32 v7, v6;
	[tilespmem:s31+$0xFFFFFFF0] =	vst v3;
	v3 =	vld [tilespmem:s0+$0x50]  }
0x185: {  	v6 =	vmul.f32 v61, v8;
	v2 =	vld [tilespmem:s30+$0x60];
	[tilespmem:s31+$0x10] =	vst v4  }
0x186: {  	[tilespmem:s31+$0x20] =	vst v5;
	v5 =	vld [tilespmem:s0+$0x60]  }
0x187: {  	s1 =	simm.s32 $0x0;
	s9 =	simm.s32 $0x180;
	v4 =	vld [tilespmem:s30+$0xFFFFFF80];
	[tilespmem:s31+$0x30] =	vst v6;
	v6 =	vmul.f32 v63, v62  }
.LBB2_11:
0x188: {  	v7 =	vld [tilespmem:s9+$0x70];
	s0 =	sadd.s32 $0x100, s0  }
0x189: {  	s1 =	sadd.s32 $0x100, s1;
	v8 =	vld [tilespmem:s0+$0x70];
	[tilespmem:s31+$0x40] =	vst v6;
	v1 =	vmul.f32 v3, v1  }
0x18a: {  	p1 =	slt.u32 s1, $0x3F00;
	v3 =	vld [tilespmem:s0+$0xFFFFFF80]  }
0x18b: {  	v6 =	vld [tilespmem:s9+$0xFFFFFF90];
	[tilespmem:s31+$0x50] =	vst v1;
	v1 =	vmul.f32 v5, v2  }
0x18c: {  	v2 =	vld [tilespmem:s0+$0xFFFFFF90];
	v9 =	vmul.f32 v0, v4  }
0x18d: {  	v4 =	vld [tilespmem:s9+$0xFFFFFFA0];
	[tilespmem:s31+$0x60] =	vst v1  }
0x18e: {  	v1 =	vld [tilespmem:s0+$0xFFFFFFA0];
	v5 =	vmul.f32 v8, v7;
	[tilespmem:s31+$0xFFFFFF80] =	vst v9  }
0x18f: {  	s31 =	sadd.s32 $0x100, s31;
	v7 =	vld [tilespmem:s9+$0xFFFFFFB0];
	v0 =	vmov v3  }
0x190: {  	v3 =	vld [tilespmem:s0+$0xFFFFFFB0];
	[tilespmem:s31+$0x70] =	vst v5  }
0x191: {  	v2 =	vmul.f32 v2, v6;
	v5 =	vld [tilespmem:s9+$0xFFFFFFC0]  }
0x192: {  	v6 =	vld [tilespmem:s0+$0xFFFFFFC0]  }
0x193: {  	[tilespmem:s31+$0xFFFFFF90] =	vst v2;
	v1 =	vmul.f32 v1, v4;
	v2 =	vld [tilespmem:s9+$0xFFFFFFD0]  }
0x194: {  	v4 =	vld [tilespmem:s0+$0xFFFFFFD0]  }
0x195: {  	[tilespmem:s31+$0xFFFFFFA0] =	vst v1;
	v1 =	vmul.f32 v3, v7;
	v3 =	vld [tilespmem:s9+$0xFFFFFFE0]  }
0x196: {  	v7 =	vld [tilespmem:s0+$0xFFFFFFE0]  }
0x197: {  	[tilespmem:s31+$0xFFFFFFB0] =	vst v1;
	v1 =	vmul.f32 v6, v5;
	v5 =	vld [tilespmem:s9+$0xFFFFFFF0]  }
0x198: {  	v6 =	vld [tilespmem:s0+$0xFFFFFFF0]  }
0x199: {  	[tilespmem:s31+$0xFFFFFFC0] =	vst v1;
	v1 =	vmul.f32 v4, v2;
	v2 =	vld [tilespmem:s9+$0x0]  }
0x19a: {  	v4 =	vld [tilespmem:s0+$0x0]  }
0x19b: {  	[tilespmem:s31+$0xFFFFFFD0] =	vst v1;
	v1 =	vmul.f32 v7, v3;
	v3 =	vld [tilespmem:s9+$0x10]  }
0x19c: {  	v7 =	vld [tilespmem:s0+$0x10]  }
0x19d: {  	[tilespmem:s31+$0xFFFFFFE0] =	vst v1;
	v1 =	vmul.f32 v6, v5;
	v5 =	vld [tilespmem:s9+$0x20]  }
0x19e: {  	v6 =	vld [tilespmem:s0+$0x20]  }
0x19f: {  	[tilespmem:s31+$0xFFFFFFF0] =	vst v1;
	v1 =	vmul.f32 v4, v2;
	v2 =	vld [tilespmem:s9+$0x30]  }
0x1a0: {  	v4 =	vld [tilespmem:s0+$0x30]  }
0x1a1: {  	[tilespmem:s31+$0x0] =	vst v1;
	v1 =	vmul.f32 v7, v3;
	v7 =	vld [tilespmem:s9+$0x40]  }
0x1a2: {  	v8 =	vld [tilespmem:s0+$0x40]  }
.Ltmp6:
0x1a3: {  	[tilespmem:s31+$0x10] =	vst v1;
	v5 =	vmul.f32 v6, v5;
	v1 =	vld [tilespmem:s9+$0x50];
	(pc) =	sbr.rel @p1 .LBB2_11-.Ltmp6, $4  }
0x1a4: {  	v3 =	vld [tilespmem:s0+$0x50]  }
0x1a5: {  	[tilespmem:s31+$0x20] =	vst v5;
	v6 =	vmul.f32 v4, v2;
	v2 =	vld [tilespmem:s9+$0x60]  }
0x1a6: {  	v5 =	vld [tilespmem:s0+$0x60]  }
0x1a7: {  	v4 =	vld [tilespmem:s9+$0xFFFFFF80];
	[tilespmem:s31+$0x30] =	vst v6;
	v6 =	vmul.f32 v8, v7;
	s9 =	sadd.s32 $0x100, s9  }
0x1a8: {  	_ =	sdelay $0x1  }
0x1a9: {  	v1 =	vmul.f32 v3, v1  }
0x1aa: {  	s0 =	sshll.u32 s28, $0xE;
	[tilespmem:s31+$0x40] =	vst v6;
	v2 =	vmul.f32 v5, v2  }
0x1ab: {  	s0 =	sadd.s32 s6, s0;
	[tilespmem:s31+$0x50] =	vst v1;
	v0 =	vmul.f32 v0, v4  }
0x1ac: {  	s30 =	sshrl.u32 s0, $0x3;
	[tilespmem:s31+$0x60] =	vst v2  }
0x1ad: {  	s0 =	sadd.s32 s5, s30;
	[tilespmem:s31+$0xFFFFFF80] =	vst v0;
	s31 =	sor.u32 $0x400000, s30  }
0x1ae: {  	[hbm4b:s0+s3] =	stream.linear.scatter [tilespmem:s19], [sflag:$0x3], $0x4000, $0x38;
	[tilespmem:$0x18000] =	vst v63  }
0x1af: {  	s14 =	sadd.s32 s2, s31  }
0x1b0: {  	[tilespmem:s3], [sflag:$0x1] =	stream.linear.gather [hbm4b:s14+s3], $0x4000, $0x38;
	[tilespmem:$0x18000] =	vst v63  }
0x1b1: {  	_ =	swait.ge [sflag:s20], $0x4000  }
0x1b2: {  	[sflag:s20] =	ssyncset.done $0x0  }
0x1b3: {  	[sflag:s20] =	ssyncadd.s32 $0xFFFFC000  }
0x1b4: {  	_ =	swait.ge [sflag:s23], $0x4000  }
0x1b5: {  	[sflag:s23] =	ssyncset.done $0x0  }
0x1b6: {  	s9 =	simm.s32 $0x4080;
	[sflag:s23] =	ssyncadd.s32 $0xFFFFC000  }
0x1b7: {  	s0 =	simm.s32 $0x14080;
	v1 =	vld [tilespmem:s9+$0x70]  }
0x1b8: {  	v2 =	vld [tilespmem:s0+$0x70]  }
0x1b9: {  	v0 =	vld [tilespmem:s0+$0xFFFFFF80]  }
0x1ba: {  	v3 =	vld [tilespmem:s9+$0xFFFFFF90]  }
0x1bb: {  	v4 =	vld [tilespmem:s0+$0xFFFFFF90]  }
0x1bc: {  	v5 =	vld [tilespmem:s9+$0xFFFFFFA0]  }
0x1bd: {  	v6 =	vld [tilespmem:s0+$0xFFFFFFA0]  }
0x1be: {  	v7 =	vld [tilespmem:s9+$0xFFFFFFB0]  }
0x1bf: {  	v8 =	vld [tilespmem:s0+$0xFFFFFFB0]  }
0x1c0: {  	v9 =	vld [tilespmem:s9+$0xFFFFFFC0]  }
0x1c1: {  	v10 =	vld [tilespmem:s0+$0xFFFFFFC0]  }
0x1c2: {  	v11 =	vld [tilespmem:s9+$0xFFFFFFD0]  }
0x1c3: {  	v12 =	vld [tilespmem:s0+$0xFFFFFFD0]  }
0x1c4: {  	v13 =	vld [tilespmem:s9+$0xFFFFFFE0]  }
0x1c5: {  	v14 =	vld [tilespmem:s0+$0xFFFFFFE0]  }
0x1c6: {  	v15 =	vld [tilespmem:s9+$0xFFFFFFF0]  }
0x1c7: {  	v16 =	vld [tilespmem:s0+$0xFFFFFFF0]  }
0x1c8: {  	v17 =	vld [tilespmem:s9+$0x0]  }
0x1c9: {  	v61 =	vld [tilespmem:s0+$0x30];
	v1 =	vmul.f32 v2, v1  }
0x1ca: {  	s1 =	simm.s32 $0xC080;
	v2 =	vld [tilespmem:s0+$0x0];
	v3 =	vmul.f32 v4, v3  }
0x1cb: {  	v4 =	vld [tilespmem:s9+$0x10];
	[tilespmem:s1+$0x70] =	vst v1;
	v1 =	vmul.f32 v6, v5  }
0x1cc: {  	v5 =	vld [tilespmem:s0+$0x10];
	[tilespmem:s1+$0xFFFFFF90] =	vst v3;
	v3 =	vmul.f32 v8, v7  }
0x1cd: {  	v6 =	vld [tilespmem:s9+$0x20];
	[tilespmem:s1+$0xFFFFFFA0] =	vst v1;
	v1 =	vmul.f32 v10, v9  }
0x1ce: {  	v7 =	vld [tilespmem:s0+$0x20];
	[tilespmem:s1+$0xFFFFFFB0] =	vst v3;
	v3 =	vmul.f32 v12, v11  }
0x1cf: {  	v8 =	vld [tilespmem:s9+$0x30];
	v2 =	vmul.f32 v2, v17;
	[tilespmem:s1+$0xFFFFFFC0] =	vst v1  }
0x1d0: {  	v62 =	vld [tilespmem:s9+$0x40];
	v1 =	vmul.f32 v14, v13;
	[tilespmem:s1+$0xFFFFFFD0] =	vst v3  }
0x1d1: {  	v63 =	vld [tilespmem:s0+$0x40];
	v3 =	vmul.f32 v16, v15;
	[tilespmem:s1+$0x0] =	vst v2  }
0x1d2: {  	v4 =	vmul.f32 v5, v4;
	[tilespmem:s1+$0xFFFFFFE0] =	vst v1;
	v1 =	vld [tilespmem:s9+$0x50]  }
0x1d3: {  	v5 =	vmul.f32 v7, v6;
	[tilespmem:s1+$0xFFFFFFF0] =	vst v3;
	v3 =	vld [tilespmem:s0+$0x50]  }
0x1d4: {  	v6 =	vmul.f32 v61, v8;
	v2 =	vld [tilespmem:s9+$0x60];
	[tilespmem:s1+$0x10] =	vst v4  }
0x1d5: {  	[tilespmem:s1+$0x20] =	vst v5;
	v5 =	vld [tilespmem:s0+$0x60]  }
0x1d6: {  	s14 =	simm.s32 $0x0;
	v4 =	vld [tilespmem:s9+$0xFFFFFF80];
	[tilespmem:s1+$0x30] =	vst v6;
	v6 =	vmul.f32 v63, v62;
	s9 =	simm.s32 $0x4180  }
.LBB2_13:
0x1d7: {  	v7 =	vld [tilespmem:s9+$0x70];
	s0 =	sadd.s32 $0x100, s0  }
0x1d8: {  	s14 =	sadd.s32 $0x100, s14;
	v8 =	vld [tilespmem:s0+$0x70];
	[tilespmem:s1+$0x40] =	vst v6;
	v1 =	vmul.f32 v3, v1  }
0x1d9: {  	p1 =	slt.u32 s14, $0x3F00;
	v3 =	vld [tilespmem:s0+$0xFFFFFF80]  }
0x1da: {  	v6 =	vld [tilespmem:s9+$0xFFFFFF90];
	[tilespmem:s1+$0x50] =	vst v1;
	v1 =	vmul.f32 v5, v2  }
0x1db: {  	v2 =	vld [tilespmem:s0+$0xFFFFFF90];
	v9 =	vmul.f32 v0, v4  }
0x1dc: {  	v4 =	vld [tilespmem:s9+$0xFFFFFFA0];
	[tilespmem:s1+$0x60] =	vst v1  }
0x1dd: {  	v1 =	vld [tilespmem:s0+$0xFFFFFFA0];
	v5 =	vmul.f32 v8, v7;
	[tilespmem:s1+$0xFFFFFF80] =	vst v9  }
0x1de: {  	s1 =	sadd.s32 $0x100, s1;
	v7 =	vld [tilespmem:s9+$0xFFFFFFB0];
	v0 =	vmov v3  }
0x1df: {  	v3 =	vld [tilespmem:s0+$0xFFFFFFB0];
	[tilespmem:s1+$0x70] =	vst v5  }
0x1e0: {  	v2 =	vmul.f32 v2, v6;
	v5 =	vld [tilespmem:s9+$0xFFFFFFC0]  }
0x1e1: {  	v6 =	vld [tilespmem:s0+$0xFFFFFFC0]  }
0x1e2: {  	[tilespmem:s1+$0xFFFFFF90] =	vst v2;
	v1 =	vmul.f32 v1, v4;
	v2 =	vld [tilespmem:s9+$0xFFFFFFD0]  }
0x1e3: {  	v4 =	vld [tilespmem:s0+$0xFFFFFFD0]  }
0x1e4: {  	[tilespmem:s1+$0xFFFFFFA0] =	vst v1;
	v1 =	vmul.f32 v3, v7;
	v3 =	vld [tilespmem:s9+$0xFFFFFFE0]  }
0x1e5: {  	v7 =	vld [tilespmem:s0+$0xFFFFFFE0]  }
0x1e6: {  	[tilespmem:s1+$0xFFFFFFB0] =	vst v1;
	v1 =	vmul.f32 v6, v5;
	v5 =	vld [tilespmem:s9+$0xFFFFFFF0]  }
0x1e7: {  	v6 =	vld [tilespmem:s0+$0xFFFFFFF0]  }
0x1e8: {  	[tilespmem:s1+$0xFFFFFFC0] =	vst v1;
	v1 =	vmul.f32 v4, v2;
	v2 =	vld [tilespmem:s9+$0x0]  }
0x1e9: {  	v4 =	vld [tilespmem:s0+$0x0]  }
0x1ea: {  	[tilespmem:s1+$0xFFFFFFD0] =	vst v1;
	v1 =	vmul.f32 v7, v3;
	v3 =	vld [tilespmem:s9+$0x10]  }
0x1eb: {  	v7 =	vld [tilespmem:s0+$0x10]  }
0x1ec: {  	[tilespmem:s1+$0xFFFFFFE0] =	vst v1;
	v1 =	vmul.f32 v6, v5;
	v5 =	vld [tilespmem:s9+$0x20]  }
0x1ed: {  	v6 =	vld [tilespmem:s0+$0x20]  }
0x1ee: {  	[tilespmem:s1+$0xFFFFFFF0] =	vst v1;
	v1 =	vmul.f32 v4, v2;
	v2 =	vld [tilespmem:s9+$0x30]  }
0x1ef: {  	v4 =	vld [tilespmem:s0+$0x30]  }
0x1f0: {  	[tilespmem:s1+$0x0] =	vst v1;
	v1 =	vmul.f32 v7, v3;
	v7 =	vld [tilespmem:s9+$0x40]  }
0x1f1: {  	v8 =	vld [tilespmem:s0+$0x40]  }
.Ltmp7:
0x1f2: {  	[tilespmem:s1+$0x10] =	vst v1;
	v5 =	vmul.f32 v6, v5;
	v1 =	vld [tilespmem:s9+$0x50];
	(pc) =	sbr.rel @p1 .LBB2_13-.Ltmp7, $4  }
0x1f3: {  	v3 =	vld [tilespmem:s0+$0x50]  }
0x1f4: {  	[tilespmem:s1+$0x20] =	vst v5;
	v6 =	vmul.f32 v4, v2;
	v2 =	vld [tilespmem:s9+$0x60]  }
0x1f5: {  	v5 =	vld [tilespmem:s0+$0x60]  }
0x1f6: {  	v4 =	vld [tilespmem:s9+$0xFFFFFF80];
	[tilespmem:s1+$0x30] =	vst v6;
	v6 =	vmul.f32 v8, v7;
	s9 =	sadd.s32 $0x100, s9  }
0x1f7: {  	_ =	sdelay $0x1  }
0x1f8: {  	v1 =	vmul.f32 v3, v1  }
0x1f9: {  	[tilespmem:s1+$0x40] =	vst v6;
	v2 =	vmul.f32 v5, v2  }
0x1fa: {  	[tilespmem:s1+$0x50] =	vst v1;
	v0 =	vmul.f32 v0, v4  }
0x1fb: {  	s0 =	sor.u32 $0x200000, s30;
	[tilespmem:s1+$0x60] =	vst v2  }
0x1fc: {  	s30 =	sor.u32 $0x600000, s30;
	s0 =	sadd.s32 s5, s0;
	[tilespmem:s1+$0xFFFFFF80] =	vst v0  }
0x1fd: {  	[hbm4b:s0+s3] =	stream.linear.scatter [tilespmem:s21], [sflag:$0x4], $0x4000, $0x38;
	[tilespmem:$0x18000] =	vst v63  }
0x1fe: {  	s14 =	sadd.s32 s2, s30  }
0x1ff: {  	[tilespmem:s16], [sflag:$0x2] =	stream.linear.gather [hbm4b:s14+s3], $0x4000, $0x38;
	[tilespmem:$0x18000] =	vst v63  }
0x200: {  	_ =	swait.ge [sflag:s17], $0x4000  }
0x201: {  	[sflag:s17] =	ssyncset.done $0x0  }
0x202: {  	[sflag:s17] =	ssyncadd.s32 $0xFFFFC000  }
0x203: {  	_ =	swait.ge [sflag:s22], $0x4000  }
0x204: {  	[sflag:s22] =	ssyncset.done $0x0  }
0x205: {  	s9 =	simm.s32 $0x80;
	[sflag:s22] =	ssyncadd.s32 $0xFFFFC000  }
0x206: {  	s0 =	simm.s32 $0x14080;
	v1 =	vld [tilespmem:s9+$0x70]  }
0x207: {  	v2 =	vld [tilespmem:s0+$0x70]  }
0x208: {  	v0 =	vld [tilespmem:s0+$0xFFFFFF80]  }
0x209: {  	v3 =	vld [tilespmem:s9+$0xFFFFFF90]  }
0x20a: {  	v4 =	vld [tilespmem:s0+$0xFFFFFF90]  }
0x20b: {  	v5 =	vld [tilespmem:s9+$0xFFFFFFA0]  }
0x20c: {  	v6 =	vld [tilespmem:s0+$0xFFFFFFA0]  }
0x20d: {  	v7 =	vld [tilespmem:s9+$0xFFFFFFB0]  }
0x20e: {  	v8 =	vld [tilespmem:s0+$0xFFFFFFB0]  }
0x20f: {  	v9 =	vld [tilespmem:s9+$0xFFFFFFC0]  }
0x210: {  	v10 =	vld [tilespmem:s0+$0xFFFFFFC0]  }
0x211: {  	v11 =	vld [tilespmem:s9+$0xFFFFFFD0]  }
0x212: {  	v12 =	vld [tilespmem:s0+$0xFFFFFFD0]  }
0x213: {  	v13 =	vld [tilespmem:s9+$0xFFFFFFE0]  }
0x214: {  	v14 =	vld [tilespmem:s0+$0xFFFFFFE0]  }
0x215: {  	v15 =	vld [tilespmem:s9+$0xFFFFFFF0]  }
0x216: {  	v16 =	vld [tilespmem:s0+$0xFFFFFFF0]  }
0x217: {  	v17 =	vld [tilespmem:s9+$0x0]  }
0x218: {  	v61 =	vld [tilespmem:s0+$0x30];
	v1 =	vmul.f32 v2, v1  }
0x219: {  	s1 =	simm.s32 $0x8080;
	v2 =	vld [tilespmem:s0+$0x0];
	v3 =	vmul.f32 v4, v3  }
0x21a: {  	v4 =	vld [tilespmem:s9+$0x10];
	[tilespmem:s1+$0x70] =	vst v1;
	v1 =	vmul.f32 v6, v5  }
0x21b: {  	v5 =	vld [tilespmem:s0+$0x10];
	[tilespmem:s1+$0xFFFFFF90] =	vst v3;
	v3 =	vmul.f32 v8, v7  }
0x21c: {  	v6 =	vld [tilespmem:s9+$0x20];
	[tilespmem:s1+$0xFFFFFFA0] =	vst v1;
	v1 =	vmul.f32 v10, v9  }
0x21d: {  	v7 =	vld [tilespmem:s0+$0x20];
	[tilespmem:s1+$0xFFFFFFB0] =	vst v3;
	v3 =	vmul.f32 v12, v11  }
0x21e: {  	v8 =	vld [tilespmem:s9+$0x30];
	v2 =	vmul.f32 v2, v17;
	[tilespmem:s1+$0xFFFFFFC0] =	vst v1  }
0x21f: {  	v62 =	vld [tilespmem:s9+$0x40];
	v1 =	vmul.f32 v14, v13;
	[tilespmem:s1+$0xFFFFFFD0] =	vst v3  }
0x220: {  	v63 =	vld [tilespmem:s0+$0x40];
	v3 =	vmul.f32 v16, v15;
	[tilespmem:s1+$0x0] =	vst v2  }
0x221: {  	v4 =	vmul.f32 v5, v4;
	[tilespmem:s1+$0xFFFFFFE0] =	vst v1;
	v1 =	vld [tilespmem:s9+$0x50]  }
0x222: {  	v5 =	vmul.f32 v7, v6;
	[tilespmem:s1+$0xFFFFFFF0] =	vst v3;
	v3 =	vld [tilespmem:s0+$0x50]  }
0x223: {  	v6 =	vmul.f32 v61, v8;
	v2 =	vld [tilespmem:s9+$0x60];
	[tilespmem:s1+$0x10] =	vst v4  }
0x224: {  	[tilespmem:s1+$0x20] =	vst v5;
	v5 =	vld [tilespmem:s0+$0x60]  }
0x225: {  	s14 =	simm.s32 $0x0;
	v4 =	vld [tilespmem:s9+$0xFFFFFF80];
	[tilespmem:s1+$0x30] =	vst v6;
	v6 =	vmul.f32 v63, v62;
	s9 =	simm.s32 $0x180  }
.LBB2_15:
0x226: {  	v7 =	vld [tilespmem:s9+$0x70];
	s0 =	sadd.s32 $0x100, s0  }
0x227: {  	s14 =	sadd.s32 $0x100, s14;
	v8 =	vld [tilespmem:s0+$0x70];
	[tilespmem:s1+$0x40] =	vst v6;
	v1 =	vmul.f32 v3, v1  }
0x228: {  	p1 =	slt.u32 s14, $0x3F00;
	v3 =	vld [tilespmem:s0+$0xFFFFFF80]  }
0x229: {  	v6 =	vld [tilespmem:s9+$0xFFFFFF90];
	[tilespmem:s1+$0x50] =	vst v1;
	v1 =	vmul.f32 v5, v2  }
0x22a: {  	v2 =	vld [tilespmem:s0+$0xFFFFFF90];
	v9 =	vmul.f32 v0, v4  }
0x22b: {  	v4 =	vld [tilespmem:s9+$0xFFFFFFA0];
	[tilespmem:s1+$0x60] =	vst v1  }
0x22c: {  	v1 =	vld [tilespmem:s0+$0xFFFFFFA0];
	v5 =	vmul.f32 v8, v7;
	[tilespmem:s1+$0xFFFFFF80] =	vst v9  }
0x22d: {  	s1 =	sadd.s32 $0x100, s1;
	v7 =	vld [tilespmem:s9+$0xFFFFFFB0];
	v0 =	vmov v3  }
0x22e: {  	v3 =	vld [tilespmem:s0+$0xFFFFFFB0];
	[tilespmem:s1+$0x70] =	vst v5  }
0x22f: {  	v2 =	vmul.f32 v2, v6;
	v5 =	vld [tilespmem:s9+$0xFFFFFFC0]  }
0x230: {  	v6 =	vld [tilespmem:s0+$0xFFFFFFC0]  }
0x231: {  	[tilespmem:s1+$0xFFFFFF90] =	vst v2;
	v1 =	vmul.f32 v1, v4;
	v2 =	vld [tilespmem:s9+$0xFFFFFFD0]  }
0x232: {  	v4 =	vld [tilespmem:s0+$0xFFFFFFD0]  }
0x233: {  	[tilespmem:s1+$0xFFFFFFA0] =	vst v1;
	v1 =	vmul.f32 v3, v7;
	v3 =	vld [tilespmem:s9+$0xFFFFFFE0]  }
0x234: {  	v7 =	vld [tilespmem:s0+$0xFFFFFFE0]  }
0x235: {  	[tilespmem:s1+$0xFFFFFFB0] =	vst v1;
	v1 =	vmul.f32 v6, v5;
	v5 =	vld [tilespmem:s9+$0xFFFFFFF0]  }
0x236: {  	v6 =	vld [tilespmem:s0+$0xFFFFFFF0]  }
0x237: {  	[tilespmem:s1+$0xFFFFFFC0] =	vst v1;
	v1 =	vmul.f32 v4, v2;
	v2 =	vld [tilespmem:s9+$0x0]  }
0x238: {  	v4 =	vld [tilespmem:s0+$0x0]  }
0x239: {  	[tilespmem:s1+$0xFFFFFFD0] =	vst v1;
	v1 =	vmul.f32 v7, v3;
	v3 =	vld [tilespmem:s9+$0x10]  }
0x23a: {  	v7 =	vld [tilespmem:s0+$0x10]  }
0x23b: {  	[tilespmem:s1+$0xFFFFFFE0] =	vst v1;
	v1 =	vmul.f32 v6, v5;
	v5 =	vld [tilespmem:s9+$0x20]  }
0x23c: {  	v6 =	vld [tilespmem:s0+$0x20]  }
0x23d: {  	[tilespmem:s1+$0xFFFFFFF0] =	vst v1;
	v1 =	vmul.f32 v4, v2;
	v2 =	vld [tilespmem:s9+$0x30]  }
0x23e: {  	v4 =	vld [tilespmem:s0+$0x30]  }
0x23f: {  	[tilespmem:s1+$0x0] =	vst v1;
	v1 =	vmul.f32 v7, v3;
	v7 =	vld [tilespmem:s9+$0x40]  }
0x240: {  	v8 =	vld [tilespmem:s0+$0x40]  }
.Ltmp8:
0x241: {  	[tilespmem:s1+$0x10] =	vst v1;
	v5 =	vmul.f32 v6, v5;
	v1 =	vld [tilespmem:s9+$0x50];
	(pc) =	sbr.rel @p1 .LBB2_15-.Ltmp8, $4  }
0x242: {  	v3 =	vld [tilespmem:s0+$0x50]  }
0x243: {  	[tilespmem:s1+$0x20] =	vst v5;
	v6 =	vmul.f32 v4, v2;
	v2 =	vld [tilespmem:s9+$0x60]  }
0x244: {  	v5 =	vld [tilespmem:s0+$0x60]  }
0x245: {  	v4 =	vld [tilespmem:s9+$0xFFFFFF80];
	[tilespmem:s1+$0x30] =	vst v6;
	v6 =	vmul.f32 v8, v7;
	s9 =	sadd.s32 $0x100, s9  }
0x246: {  	_ =	sdelay $0x1  }
0x247: {  	v1 =	vmul.f32 v3, v1  }
0x248: {  	[tilespmem:s1+$0x40] =	vst v6;
	v2 =	vmul.f32 v5, v2  }
0x249: {  	[tilespmem:s1+$0x50] =	vst v1;
	v0 =	vmul.f32 v0, v4  }
0x24a: {  	p1 =	sgt.u32 s28, $0x1E;
	[tilespmem:s1+$0x60] =	vst v2  }
0x24b: {  	s0 =	sadd.s32 s5, s31;
	s28 =	sshll.u32 @!p1 s29, $0xB;
	[tilespmem:s1+$0xFFFFFF80] =	vst v0  }
0x24c: {  	[hbm4b:s0+s3] =	stream.linear.scatter [tilespmem:s19], [sflag:$0x3], $0x4000, $0x38;
	[tilespmem:$0x18000] =	vst v63  }
0x24d: {  	s1 =	simm.s32 @!p1 $0x0;
	s0 =	sadd.s32 @!p1 s28, s8  }
0x24e: {  	[tilespmem:s1], [sflag:$0x1] =	stream.linear.gather @!p1 [hbm4b:s0+s1], $0x4000, $0x38;
	[tilespmem:$0x18000] =	vst v63  }
0x24f: {  	_ =	swait.ge [sflag:s20], $0x4000  }
0x250: {  	[sflag:s20] =	ssyncset.done $0x0  }
0x251: {  	[sflag:s20] =	ssyncadd.s32 $0xFFFFC000  }
0x252: {  	_ =	swait.ge [sflag:s23], $0x4000  }
0x253: {  	[sflag:s23] =	ssyncset.done $0x0  }
0x254: {  	s9 =	simm.s32 $0x4080;
	[sflag:s23] =	ssyncadd.s32 $0xFFFFC000  }
0x255: {  	s0 =	simm.s32 $0x14080;
	v1 =	vld [tilespmem:s9+$0x70]  }
0x256: {  	v2 =	vld [tilespmem:s0+$0x70]  }
0x257: {  	v0 =	vld [tilespmem:s0+$0xFFFFFF80]  }
0x258: {  	v3 =	vld [tilespmem:s9+$0xFFFFFF90]  }
0x259: {  	v4 =	vld [tilespmem:s0+$0xFFFFFF90]  }
0x25a: {  	v5 =	vld [tilespmem:s9+$0xFFFFFFA0]  }
0x25b: {  	v6 =	vld [tilespmem:s0+$0xFFFFFFA0]  }
0x25c: {  	v7 =	vld [tilespmem:s9+$0xFFFFFFB0]  }
0x25d: {  	v8 =	vld [tilespmem:s0+$0xFFFFFFB0]  }
0x25e: {  	v9 =	vld [tilespmem:s9+$0xFFFFFFC0]  }
0x25f: {  	v10 =	vld [tilespmem:s0+$0xFFFFFFC0]  }
0x260: {  	v11 =	vld [tilespmem:s9+$0xFFFFFFD0]  }
0x261: {  	v12 =	vld [tilespmem:s0+$0xFFFFFFD0]  }
0x262: {  	v13 =	vld [tilespmem:s9+$0xFFFFFFE0]  }
0x263: {  	v14 =	vld [tilespmem:s0+$0xFFFFFFE0]  }
0x264: {  	v15 =	vld [tilespmem:s9+$0xFFFFFFF0]  }
0x265: {  	v16 =	vld [tilespmem:s0+$0xFFFFFFF0]  }
0x266: {  	v17 =	vld [tilespmem:s9+$0x0]  }
0x267: {  	v61 =	vld [tilespmem:s0+$0x30];
	v1 =	vmul.f32 v2, v1  }
0x268: {  	s1 =	simm.s32 $0xC080;
	v2 =	vld [tilespmem:s0+$0x0];
	v3 =	vmul.f32 v4, v3  }
0x269: {  	v4 =	vld [tilespmem:s9+$0x10];
	[tilespmem:s1+$0x70] =	vst v1;
	v1 =	vmul.f32 v6, v5  }
0x26a: {  	v5 =	vld [tilespmem:s0+$0x10];
	[tilespmem:s1+$0xFFFFFF90] =	vst v3;
	v3 =	vmul.f32 v8, v7  }
0x26b: {  	v6 =	vld [tilespmem:s9+$0x20];
	[tilespmem:s1+$0xFFFFFFA0] =	vst v1;
	v1 =	vmul.f32 v10, v9  }
0x26c: {  	v7 =	vld [tilespmem:s0+$0x20];
	[tilespmem:s1+$0xFFFFFFB0] =	vst v3;
	v3 =	vmul.f32 v12, v11  }
0x26d: {  	v8 =	vld [tilespmem:s9+$0x30];
	v2 =	vmul.f32 v2, v17;
	[tilespmem:s1+$0xFFFFFFC0] =	vst v1  }
0x26e: {  	v62 =	vld [tilespmem:s9+$0x40];
	v1 =	vmul.f32 v14, v13;
	[tilespmem:s1+$0xFFFFFFD0] =	vst v3  }
0x26f: {  	v63 =	vld [tilespmem:s0+$0x40];
	v3 =	vmul.f32 v16, v15;
	[tilespmem:s1+$0x0] =	vst v2  }
0x270: {  	v4 =	vmul.f32 v5, v4;
	[tilespmem:s1+$0xFFFFFFE0] =	vst v1;
	v1 =	vld [tilespmem:s9+$0x50]  }
0x271: {  	v5 =	vmul.f32 v7, v6;
	[tilespmem:s1+$0xFFFFFFF0] =	vst v3;
	v3 =	vld [tilespmem:s0+$0x50]  }
0x272: {  	v6 =	vmul.f32 v61, v8;
	v2 =	vld [tilespmem:s9+$0x60];
	[tilespmem:s1+$0x10] =	vst v4  }
0x273: {  	[tilespmem:s1+$0x20] =	vst v5;
	v5 =	vld [tilespmem:s0+$0x60]  }
0x274: {  	s14 =	simm.s32 $0x0;
	v4 =	vld [tilespmem:s9+$0xFFFFFF80];
	[tilespmem:s1+$0x30] =	vst v6;
	v6 =	vmul.f32 v63, v62;
	s9 =	simm.s32 $0x4180  }
.LBB2_17:
0x275: {  	v7 =	vld [tilespmem:s9+$0x70];
	s0 =	sadd.s32 $0x100, s0  }
0x276: {  	s14 =	sadd.s32 $0x100, s14;
	v8 =	vld [tilespmem:s0+$0x70];
	[tilespmem:s1+$0x40] =	vst v6;
	v1 =	vmul.f32 v3, v1  }
0x277: {  	p2 =	slt.u32 s14, $0x3F00;
	v3 =	vld [tilespmem:s0+$0xFFFFFF80]  }
0x278: {  	v6 =	vld [tilespmem:s9+$0xFFFFFF90];
	[tilespmem:s1+$0x50] =	vst v1;
	v1 =	vmul.f32 v5, v2  }
0x279: {  	v2 =	vld [tilespmem:s0+$0xFFFFFF90];
	v9 =	vmul.f32 v0, v4  }
0x27a: {  	v4 =	vld [tilespmem:s9+$0xFFFFFFA0];
	[tilespmem:s1+$0x60] =	vst v1  }
0x27b: {  	v1 =	vld [tilespmem:s0+$0xFFFFFFA0];
	v5 =	vmul.f32 v8, v7;
	[tilespmem:s1+$0xFFFFFF80] =	vst v9  }
0x27c: {  	s1 =	sadd.s32 $0x100, s1;
	v7 =	vld [tilespmem:s9+$0xFFFFFFB0];
	v0 =	vmov v3  }
0x27d: {  	v3 =	vld [tilespmem:s0+$0xFFFFFFB0];
	[tilespmem:s1+$0x70] =	vst v5  }
0x27e: {  	v2 =	vmul.f32 v2, v6;
	v5 =	vld [tilespmem:s9+$0xFFFFFFC0]  }
0x27f: {  	v6 =	vld [tilespmem:s0+$0xFFFFFFC0]  }
0x280: {  	[tilespmem:s1+$0xFFFFFF90] =	vst v2;
	v1 =	vmul.f32 v1, v4;
	v2 =	vld [tilespmem:s9+$0xFFFFFFD0]  }
0x281: {  	v4 =	vld [tilespmem:s0+$0xFFFFFFD0]  }
0x282: {  	[tilespmem:s1+$0xFFFFFFA0] =	vst v1;
	v1 =	vmul.f32 v3, v7;
	v3 =	vld [tilespmem:s9+$0xFFFFFFE0]  }
0x283: {  	v7 =	vld [tilespmem:s0+$0xFFFFFFE0]  }
0x284: {  	[tilespmem:s1+$0xFFFFFFB0] =	vst v1;
	v1 =	vmul.f32 v6, v5;
	v5 =	vld [tilespmem:s9+$0xFFFFFFF0]  }
0x285: {  	v6 =	vld [tilespmem:s0+$0xFFFFFFF0]  }
0x286: {  	[tilespmem:s1+$0xFFFFFFC0] =	vst v1;
	v1 =	vmul.f32 v4, v2;
	v2 =	vld [tilespmem:s9+$0x0]  }
0x287: {  	v4 =	vld [tilespmem:s0+$0x0]  }
0x288: {  	[tilespmem:s1+$0xFFFFFFD0] =	vst v1;
	v1 =	vmul.f32 v7, v3;
	v3 =	vld [tilespmem:s9+$0x10]  }
0x289: {  	v7 =	vld [tilespmem:s0+$0x10]  }
0x28a: {  	[tilespmem:s1+$0xFFFFFFE0] =	vst v1;
	v1 =	vmul.f32 v6, v5;
	v5 =	vld [tilespmem:s9+$0x20]  }
0x28b: {  	v6 =	vld [tilespmem:s0+$0x20]  }
0x28c: {  	[tilespmem:s1+$0xFFFFFFF0] =	vst v1;
	v1 =	vmul.f32 v4, v2;
	v2 =	vld [tilespmem:s9+$0x30]  }
0x28d: {  	v4 =	vld [tilespmem:s0+$0x30]  }
0x28e: {  	[tilespmem:s1+$0x0] =	vst v1;
	v1 =	vmul.f32 v7, v3;
	v7 =	vld [tilespmem:s9+$0x40]  }
0x28f: {  	v8 =	vld [tilespmem:s0+$0x40]  }
.Ltmp9:
0x290: {  	[tilespmem:s1+$0x10] =	vst v1;
	v5 =	vmul.f32 v6, v5;
	v1 =	vld [tilespmem:s9+$0x50];
	(pc) =	sbr.rel @p2 .LBB2_17-.Ltmp9, $4  }
0x291: {  	v3 =	vld [tilespmem:s0+$0x50]  }
0x292: {  	[tilespmem:s1+$0x20] =	vst v5;
	v6 =	vmul.f32 v4, v2;
	v2 =	vld [tilespmem:s9+$0x60]  }
0x293: {  	v5 =	vld [tilespmem:s0+$0x60]  }
0x294: {  	v4 =	vld [tilespmem:s9+$0xFFFFFF80];
	[tilespmem:s1+$0x30] =	vst v6;
	v6 =	vmul.f32 v8, v7;
	s9 =	sadd.s32 $0x100, s9  }
0x295: {  	_ =	sdelay $0x1  }
0x296: {  	v1 =	vmul.f32 v3, v1  }
0x297: {  	[tilespmem:s1+$0x40] =	vst v6;
	v2 =	vmul.f32 v5, v2  }
0x298: {  	[tilespmem:s1+$0x50] =	vst v1;
	v0 =	vmul.f32 v0, v4  }
.Ltmp10:
0x299: {  	[tilespmem:s1+$0x60] =	vst v2;
	(pc) =	sbr.rel @p0 .LBB2_20-.Ltmp10, $4  }
0x29a: {  	s0 =	sadd.s32 s5, s30;
	[tilespmem:s1+$0xFFFFFF80] =	vst v0  }
0x29b: {  	[hbm4b:s0+s3] =	stream.linear.scatter [tilespmem:s21], [sflag:$0x4], $0x4000, $0x38;
	[tilespmem:$0x18000] =	vst v63  }
0x29c: {  	s9 =	simm.s32 @!p1 $0x4000;
	s1 =	simm.s32 @!p1 $0x0;
	s0 =	sadd.s32 @!p1 s28, s11  }
0x29d: {  	[tilespmem:s9], [sflag:$0x2] =	stream.linear.gather @!p1 [hbm4b:s0+s1], $0x4000, $0x38;
	[tilespmem:$0x18000] =	vst v63  }
.Ltmp11:
0x29e: {  	(pc) =	sbr.rel .LBB2_2-.Ltmp11, $4  }
0x29f: {  	_ = 	snop  }
0x2a0: {  	s0 =	sshll.u32 s26, $0xC  }
0x2a1: {  	s26 =	sadd.s32 $0x1, s26;
	s0 =	sadd.s32 s0, s12  }
0x2a2: {  	[tilespmem:s15], [sflag:$0x6] =	stream.linear.gather [hbm4b:s0+s3], $0x4000, $0x38;
	[tilespmem:$0x18000] =	vst v63  }
.LBB2_21:
0x2a3: {  	_ =	sfence.sel $0x180000  }
0x2a4: {  	[bflag:$0x0] =	sbarrier.arrive $0xFFFF  }
0x2a5: {  	_ =	strace $0x9000004D  }
0x2a6: {  	s0 =	stileid.u32;
	[bflag:$0x2] =	sbarrier.arrive $0xFFFF  }
0x2a7: {  	p0 =	sne.s32 s0, $0x0;
	s0 =	rddreg [dreg:$0x2]  }
0x2a8: {  	s0 =	sadd.s32 @!p0 $0x100000, s0  }
0x2a9: {  	[sflag:s0] =	ssyncadd.tile.s32 @!p0 $0x1;
	_ =	shalt  }
.Lfunc_end2:
_tile_overlayer_lowered:
.L_overlay_start_2:
0x2aa: {  	(tag) =	ssettag $0x2  }
0x2ab: {  	s0 =	rddreg [dreg:$0x0];
	s2 =	stileid.u32  }
0x2ac: {  	s1 =	rddreg [dreg:$0x1];
	p0 =	sne.s32 s2, $0x0  }
0x2ad: {  	s3 =	rddreg [dreg:$0x2];
	[bflag:$0x3] =	sbarrier.arrive $0xFFFF;
	s2 =	simm.s32 @!p0 $0x1C07  }
0x2ae: {  	[timem:s3], [sflag:s2] =	dma.local @!p0 [hbm:s0], s1  }
0x2af: {  	s0 =	simm.s32 @!p0 $0x7  }
0x2b0: {  	_ =	swait.ge @!p0 [sflag:s0], s1  }
0x2b1: {  	s1 =	ssub.s32 @!p0 $0x0, s1;
	[sflag:s0] =	ssyncset.done @!p0 $0x0  }
0x2b2: {  	[sflag:s0] =	ssyncadd.s32 @!p0 s1  }
0x2b3: {  	[bflag:$0x3] =	sbarrier.arrive $0xFFFF  }
0x2b4: {  	_ =	shalt  }

// kernel: sparse-core-data-format-call.1.cloned.1.call-start
scs
called_computation.1_lowered:
.L_overlay_start_0:
0x0: {  	s2 =	sld [smem:$0x3FD9]  }
0x1: {  	s3 =	sld [smem:$0x3FFE];
	_ =	sdelay $0x1  }
0x2: {  	s1 =	srdreg.scid  }
0x3: {  	s0 =	sand.u32 $0x1, s1  }
0x4: {  	s19 =	sshll.u32 s0, $0xA;
	s2 =	sadd.s32 s3, s2  }
0x5: {  	s2 =	sadd.s32 s2, s19  }
0x6: {  	[smem:$0x3FC6] =	sst s2  }
0x7: {  	_ = 	snop  }
0x8: {  	s20 =	sld [smem:$0x3FC9]  }
0x9: {  	s4 =	sld [smem:$0x3FD0];
	(tm) =	ssettm $0x1  }
0xa: {  	s21 =	sld [smem:$0x3FFB];
	_ =	sdelay $0x3  }
0xb: {  	_ =	strace s21  }
0xc: {  	s2 =	sld [smem:$0x3FFC];
	_ =	sdelay $0x3  }
0xd: {  	_ =	strace s2  }
0xe: {  	s2 =	sld [smem:$0x3FFD];
	_ =	sdelay $0x3  }
0xf: {  	_ =	strace s2  }
0x10: {  	_ =	strace $0x8FFFFFFF  }
0x11: {  	s22 =	sld [smem:$0x3FDB];
	_ =	sdelay $0x1  }
0x12: {  	s5 =	simm.s32 $_scs_section_size  }
0x13: {  	s6 =	simm.s32 $_size__tile_overlayer_lowered;
	s7 =	simm.s32 $_tile_overlayer_lowered  }
0x14: {  	s8 =	simm.s32 $0x1BFF;
	s23 =	sshll.u32 s7, $0x1;
	s5 =	sadd.s32 s5, s22  }
0x15: {  	s24 =	simm.s32 $0x0;
	s6 =	sshll.u32 s6, $0x1;
	s7 =	sadd.s32 s23, s5  }
0x16: {  	[timem:s24], [sflag:s8] =	dma.local [hbm:s7], s6  }
0x17: {  	_ =	swait.ge [sflag:s8], s6  }
0x18: {  	s6 =	ssub.s32 $0x0, s6;
	[sflag:s8] =	ssyncset.done $0x0  }
0x19: {  	[sflag:s8] =	ssyncadd.s32 s6;
	_ =	sdelay $0x1  }
0x1a: {  	s25 =	simm.s32 $0x1B8B  }
0x1b: {  	_ =	swait.ge [sflag:s25], $0x1  }
0x1c: {  	[sflag:s25] =	ssyncset.done $0x0  }
0x1d: {  	[sflag:s25] =	ssyncadd.s32 $0xFFFFFFFF  }
0x1e: {  	s6 =	sld [smem:$0x0]  }
0x1f: {  	s7 =	sand.u32 $0xFFFFFFFE, s1  }
0x20: {  	p0 =	sne.s32 s1, s7  }
0x21: {  	s7 =	sshll.u32 @p0 s7, $0xE  }
0x22: {  	s7 =	sadd.s32 @p0 $0x11B8D, s7;
	s8 =	sshll.u32 @p0 s6, $0x11  }
0x23: {  	s7 =	sor.u32 @p0 s8, s7  }
0x24: {  	[sflag:s7] =	ssyncadd.remote.s32 @p0 $0x1;
	_ =	sdelay $0x1  }
0x25: {  	s7 =	simm.s32 @p0 $0x1B8D  }
0x26: {  	_ =	swait.eq @p0 [sflag:s7], $0x1  }
0x27: {  	[sflag:s7] =	ssyncadd.s32 @p0 $0xFFFFFFFF  }
0x28: {  	s8 =	sshll.u32 @!p0 s1, $0xE  }
0x29: {  	s8 =	sor.u32 @!p0 $0x4000, s8;
	s7 =	simm.s32 @!p0 $0x1B8D  }
0x2a: {  	s6 =	sshll.u32 @!p0 s6, $0x11;
	s8 =	sadd.s32 @!p0 $0x11B8D, s8;
	_ =	swait.eq @!p0 [sflag:s7], $0x1  }
0x2b: {  	s6 =	sor.u32 @!p0 s6, s8;
	[sflag:s7] =	ssyncadd.s32 @!p0 $0xFFFFFFFF  }
0x2c: {  	s26 =	simm.s32 $0x1B8E;
	[sflag:s6] =	ssyncadd.remote.s32 @!p0 $0x1  }
0x2d: {  	s27 =	simm.s32 $execute0_lowered;
	[smem:$0x3FD2] =	sst s26  }
0x2e: {  	s6 =	sshll.u32 s27, $0x1;
	_ =	strace $0x80000049;
	[dreg:$0x1] =	wrdreg $0xFFFFFFFF  }
0x2f: {  	s28 =	simm.s32 $_size_execute0_lowered;
	s5 =	sadd.s32 s5, s6;
	[dreg:$0x0] =	wrdreg $0x0  }
0x30: {  	s6 =	sshll.u32 s28, $0x1;
	[dreg:$0x2] =	wrdreg s5  }
0x31: {  	[dreg:$0x3] =	wrdreg s6  }
0x32: {  	[dreg:$0x4] =	wrdreg $0xC0  }
0x33: {  	_ =	task [dreg:s24], $0x5FFFF  }
0x34: {  	[dreg:$0x1] =	wrdreg $0xFFFFFFFF  }
0x35: {  	[dreg:$0x0] =	wrdreg $0x60  }
0x36: {  	[dreg:$0x2] =	wrdreg s20  }
0x37: {  	[dreg:$0x3] =	wrdreg s4  }
0x38: {  	[dreg:$0x4] =	wrdreg $0xA  }
0x39: {  	_ =	task.clear_ibuf [dreg:s24], $0x5FFFF;
	_ =	strace $0x90000049  }
0x3a: {  	s29 =	simm.s32 $0xA;
	_ =	strace $0x8000004B  }
0x3b: {  	_ =	swait.ge [sflag:s29], $0x1  }
0x3c: {  	[sflag:s29] =	ssyncadd.s32 $0xFFFFFFFF  }
0x3d: {  	_ =	strace $0x9000004B  }
0x3e: {  	_ =	sfence  }
0x3f: {  	s30 =	sld [smem:$0x0];
	_ =	sdelay $0x2  }
0x40: {  	s31 =	sshll.u32 s1, $0xD;
	s1 =	sshrl.u32 s1, $0x2  }
0x41: {  	s4 =	sand.u32 $0x4000, s31;
	s1 =	sadd.s32 s1, s30  }
0x42: {  	s0 =	sor.u32 s4, s0;
	s1 =	sshll.u32 s1, $0x11  }
0x43: {  	s0 =	sor.u32 s1, s0  }
0x44: {  	s0 =	sadd.s32 $0x8F2B, s0  }
0x45: {  	[sflag:s0] =	ssyncadd.remote.s32 $0x1  }
0x46: {  	_ =	sfence.sel $0xFFFF  }
0x47: {  	[dreg:$0x0] =	wrdreg $0xFFFFFFFF;
	(pc) =	sbr.abs _section_cstart, $3  }
0x48: {  	[dreg:$0x1] =	wrdreg $0xFFFFFFFF  }
0x49: {  	_ =	task.clear_ibuf [dreg:s24], $0x2FFFF;
	_ =	strace $0x9FFFFFFF  }
0x4a: {  	(tm) =	ssettm $0x7FFFFFFF  }
0x4b: {  	_ =	shalt  }
tec
execute0_lowered:
.L_overlay_start_1:
0x0: {  	(tag) =	ssettag $0x1  }
0x1: {  	s2 =	rddreg [dreg:$0x0]  }
0x2: {  	s3 =	rddreg [dreg:$0x1]  }
0x3: {  	s0 =	rddreg [dreg:$0x2];
	s4 =	srdreg.scid  }
.Ltmp0:
0x4: {  	_ =	strace $0x8000004A;
	s1 =	stileid.u32;
	(pc) =	sbr.rel .LBB1_1-.Ltmp0, $4  }
0x5: {  	s6 =	simm.s32 $0x2;
	p0 =	por $0x0, $0x0;
	s5 =	sshll.u32 s4, $0x4  }
0x6: {  	s9 =	simm.s32 $0x0;
	s4 =	simm.s32 $0x1;
	s5 =	sand.u32 $0x10, s5  }
0x7: {  	s7 =	simm.s32 $0x0;
	[sflag:s4] =	ssyncpa.u1 $0x0;
	s5 =	sor.u32 s1, s5  }
0x8: {  	[sflag:s6] =	ssyncpa.u1 $0x0;
	s6 =	simm.s32 $0x0;
	s8 =	smov.u32 s5  }
.LBB1_7:
0x9: {  	s11 =	sadd.s32 $0x20, s8  }
0xa: {  	p1 =	slt.u32 s7, $0x2;
	s7 =	sadd.s32 $0x1, s7;
	p2 =	sgt.s32 s11, $0xFFF  }
0xb: {  	s11 =	smov.u32 @p2 s5;
	p2 =	sne.s32 s7, $0x82  }
.Ltmp1:
0xc: {  	_ = 	snop;
	(pc) =	sbr.rel @!p2 .LBB1_8-.Ltmp1, $4  }
0xd: {  	s10 =	simm.s32 @!p1 $0x2  }
0xe: {  	_ =	swait.ge @!p1 [sflag:s10], $0x4000  }
0xf: {  	s9 =	smov.u32 s8;
	[sflag:s10] =	ssyncset.done @!p1 $0x0  }
0x10: {  	p0 =	por !p0, !p0;
	s8 =	smov.u32 s11;
	[sflag:s10] =	ssyncadd.s32 @!p1 $0xFFFFC000  }
.LBB1_1:
0x11: {  	p1 =	sgt.u32 s7, $0x7F  }
0x12: {  	s10 =	sxor.u32 @!p1 $0xFFFFFFFF, s7  }
0x13: {  	s11 =	sshll.u32 @!p1 s8, $0xB;
	s10 =	sshll.u32 @!p1 s10, $0xE  }
0x14: {  	s12 =	simm.s32 @!p1 $0x0;
	s11 =	sadd.s32 @!p1 s2, s11;
	s10 =	sand.u32 @!p1 $0x4000, s10  }
0x15: {  	[tilespmem:s10], [sflag:$0x1] =	stream.linear.gather @!p1 [hbm4b:s11+s12], $0x4000, $0x38;
	[tilespmem:$0x10000] =	vst v63  }
0x16: {  	p1 =	seq.s32 s7, $0x0  }
0x17: {  	p2 =	seq.s32 @!p1 s7, $0x81  }
0x18: {  	p1 =	por p1, p2  }
.Ltmp2:
0x19: {  	_ = 	snop;
	(pc) =	sbr.rel @p1 .LBB1_7-.Ltmp2, $1  }
0x1a: {  	_ =	sdelay $0x3  }
0x1b: {  	s10 =	simm.s32 $0x1;
	_ =	swait.ge [sflag:s4], $0x4000;
	s12 =	sshll.u32 s7, $0xE  }
0x1c: {  	s13 =	simm.s32 $0x0;
	s10 =	simm.s32 @!p0 $0x0;
	[sflag:s4] =	ssyncset.done $0x0  }
0x1d: {  	s12 =	sand.u32 $0x4000, s12;
	s11 =	sshll.u32 s10, $0xE;
	[sflag:s4] =	ssyncadd.s32 $0xFFFFC000  }
0x1e: {  	s12 =	sor.u32 $0x8000, s12;
	s10 =	sor.u32 $0x8040, s11;
	s11 =	sor.u32 $0x40, s11  }
.LBB1_3:
0x1f: {  	v0 =	vmov s11;
	_ =	sdelay $0x3  }
0x20: {  	s15 =	simm.s32 $0x0  }
0x21: {  	v6 =	vld.idx.msk [tilespmem:v0+s15+$0x30 ss:$0x1], $0xffff  }
0x22: {  	v7 =	vld.idx.msk [tilespmem:v0+s15+$0xFFFFFFC0 ss:$0x1], $0xffff  }
0x23: {  	v5 =	vld.idx.msk [tilespmem:v0+s15+$0xFFFFFFD0 ss:$0x1], $0xffff  }
0x24: {  	v4 =	vld.idx.msk [tilespmem:v0+s15+$0xFFFFFFE0 ss:$0x1], $0xffff  }
0x25: {  	v3 =	vld.idx.msk [tilespmem:v0+s15+$0xFFFFFFF0 ss:$0x1], $0xffff  }
0x26: {  	v1 =	vld.idx.msk [tilespmem:v0+s15+$0x0 ss:$0x1], $0xffff  }
0x27: {  	v2 =	vld.idx.msk [tilespmem:v0+s15+$0x10 ss:$0x1], $0xffff;
	[tilespmem:s10+$0x30] =	vst v6  }
0x28: {  	s14 =	simm.s32 $0x80;
	s16 =	simm.s32 $0x400;
	[tilespmem:s10+$0xFFFFFFC0] =	vst v7;
	v6 =	vld.idx.msk [tilespmem:v0+s15+$0x20 ss:$0x1], $0xffff;
	s15 =	smov.u32 s10  }
.LBB1_4:
0x29: {  	p1 =	sne.s32 s16, $0xE00;
	v7 =	vld.idx.msk [tilespmem:v0+s14+$0x30 ss:$0x1], $0xffff;
	[tilespmem:s15+$0xFFFFFFD0] =	vst v5  }
0x2a: {  	v8 =	vld.idx.msk [tilespmem:v0+s14+$0xFFFFFFC0 ss:$0x1], $0xffff;
	[tilespmem:s15+$0xFFFFFFE0] =	vst v4  }
0x2b: {  	v5 =	vld.idx.msk [tilespmem:v0+s14+$0xFFFFFFD0 ss:$0x1], $0xffff;
	[tilespmem:s15+$0xFFFFFFF0] =	vst v3  }
.Ltmp3:
0x2c: {  	v4 =	vld.idx.msk [tilespmem:v0+s14+$0xFFFFFFE0 ss:$0x1], $0xffff;
	[tilespmem:s15+$0x0] =	vst v1;
	(pc) =	sbr.rel @p1 .LBB1_4-.Ltmp3, $4  }
0x2d: {  	v3 =	vld.idx.msk [tilespmem:v0+s14+$0xFFFFFFF0 ss:$0x1], $0xffff;
	[tilespmem:s15+$0x10] =	vst v2  }
0x2e: {  	v1 =	vld.idx.msk [tilespmem:v0+s14+$0x0 ss:$0x1], $0xffff;
	[tilespmem:s15+$0x20] =	vst v6;
	s15 =	sadd.s32 $0x800, s15  }
0x2f: {  	v2 =	vld.idx.msk [tilespmem:v0+s14+$0x10 ss:$0x1], $0xffff;
	[tilespmem:s15+$0x30] =	vst v7  }
0x30: {  	[tilespmem:s15+$0xFFFFFFC0] =	vst v8;
	v6 =	vld.idx.msk [tilespmem:v0+s14+$0x20 ss:$0x1], $0xffff;
	s14 =	sshra.s32 s16, $0x2;
	s16 =	sadd.s32 $0x200, s16  }
0x31: {  	_ =	sdelay $0x2  }
0x32: {  	[tilespmem:s15+$0xFFFFFFD0] =	vst v5  }
0x33: {  	v56 =	vld.idx.msk [tilespmem:v0+s14+$0x30 ss:$0x1], $0xffff;
	[tilespmem:s15+$0xFFFFFFE0] =	vst v4  }
0x34: {  	v57 =	vld.idx.msk [tilespmem:v0+s14+$0xFFFFFFC0 ss:$0x1], $0xffff;
	[tilespmem:s15+$0xFFFFFFF0] =	vst v3  }
0x35: {  	v58 =	vld.idx.msk [tilespmem:v0+s14+$0xFFFFFFD0 ss:$0x1], $0xffff;
	[tilespmem:s15+$0x0] =	vst v1  }
0x36: {  	v59 =	vld.idx.msk [tilespmem:v0+s14+$0xFFFFFFE0 ss:$0x1], $0xffff;
	[tilespmem:s15+$0x10] =	vst v2  }
0x37: {  	v60 =	vld.idx.msk [tilespmem:v0+s14+$0xFFFFFFF0 ss:$0x1], $0xffff;
	s31 =	sadd.s32 $0x800, s15;
	[tilespmem:s15+$0x20] =	vst v6  }
0x38: {  	v61 =	vld.idx.msk [tilespmem:v0+s14+$0x0 ss:$0x1], $0xffff;
	[tilespmem:s31+$0x30] =	vst v56  }
0x39: {  	v62 =	vld.idx.msk [tilespmem:v0+s14+$0x10 ss:$0x1], $0xffff;
	s13 =	sadd.s32 $0x1, s13;
	[tilespmem:s31+$0xFFFFFFC0] =	vst v57  }
0x3a: {  	v63 =	vld.idx.msk [tilespmem:v0+s14+$0x20 ss:$0x1], $0xffff;
	p1 =	sne.s32 s13, $0x10;
	[tilespmem:s31+$0xFFFFFFD0] =	vst v58  }
.Ltmp4:
0x3b: {  	[tilespmem:s31+$0xFFFFFFE0] =	vst v59;
	(pc) =	sbr.rel @p1 .LBB1_3-.Ltmp4, $4  }
0x3c: {  	[tilespmem:s31+$0xFFFFFFF0] =	vst v60  }
0x3d: {  	[tilespmem:s31+$0x0] =	vst v61  }
0x3e: {  	[tilespmem:s31+$0x10] =	vst v62  }
0x3f: {  	s10 =	sadd.s32 $0x80, s10;
	s11 =	sadd.s32 $0x400, s11;
	[tilespmem:s31+$0x20] =	vst v63  }
.Ltmp5:
0x40: {  	(pc) =	sbr.rel .LBB1_7-.Ltmp5, $4  }
0x41: {  	_ = 	snop  }
0x42: {  	s9 =	sshll.u32 s9, $0xB  }
0x43: {  	s9 =	sadd.s32 s3, s9  }
0x44: {  	[hbm4b:s9+s6] =	stream.linear.scatter [tilespmem:s12], [sflag:$0x2], $0x4000, $0x38;
	[tilespmem:$0x10000] =	vst v63  }
.LBB1_8:
0x45: {  	_ =	sfence.sel $0x180000  }
0x46: {  	s2 =	simm.s32 $0x1;
	[bflag:$0x0] =	sbarrier.arrive $0xFFFF  }
0x47: {  	s31 =	simm.s32 $0x2;
	[sflag:s2] =	ssyncpa.u1 $0x1  }
0x48: {  	[sflag:s31] =	ssyncpa.u1 $0x1  }
0x49: {  	p0 =	sne.s32 s1, $0x0;
	_ =	strace $0x9000004A  }
0x4a: {  	s0 =	sadd.s32 @!p0 $0x100000, s0;
	[bflag:$0x2] =	sbarrier.arrive $0xFFFF  }
0x4b: {  	[sflag:s0] =	ssyncadd.tile.s32 @!p0 $0x1;
	_ =	shalt  }
.Lfunc_end1:
_tile_overlayer_lowered:
.L_overlay_start_2:
0x4c: {  	(tag) =	ssettag $0x2  }
0x4d: {  	s0 =	rddreg [dreg:$0x0];
	s2 =	stileid.u32  }
0x4e: {  	s1 =	rddreg [dreg:$0x1];
	p0 =	sne.s32 s2, $0x0  }
0x4f: {  	s3 =	rddreg [dreg:$0x2];
	[bflag:$0x3] =	sbarrier.arrive $0xFFFF;
	s2 =	simm.s32 @!p0 $0x1C01  }
0x50: {  	[timem:s3], [sflag:s2] =	dma.local @!p0 [hbm:s0], s1  }
0x51: {  	s0 =	simm.s32 @!p0 $0x1  }
0x52: {  	_ =	swait.ge @!p0 [sflag:s0], s1  }
0x53: {  	s1 =	ssub.s32 @!p0 $0x0, s1;
	[sflag:s0] =	ssyncset.done @!p0 $0x0  }
0x54: {  	[sflag:s0] =	ssyncadd.s32 @!p0 s1  }
0x55: {  	[bflag:$0x3] =	sbarrier.arrive $0xFFFF  }
0x56: {  	_ =	shalt  }

// kernel: sparse-core-data-format-call.cloned.1.call-start
scs
called_computation_lowered:
.L_overlay_start_0:
0x0: {  	s2 =	sld [smem:$0x3FD9]  }
0x1: {  	s3 =	sld [smem:$0x3FFE];
	_ =	sdelay $0x1  }
0x2: {  	s1 =	srdreg.scid  }
0x3: {  	s0 =	sand.u32 $0x1, s1  }
0x4: {  	s18 =	sshll.u32 s0, $0xA;
	s2 =	sadd.s32 s3, s2  }
0x5: {  	s2 =	sadd.s32 s2, s18  }
0x6: {  	[smem:$0x3FC6] =	sst s2  }
0x7: {  	_ = 	snop  }
0x8: {  	s2 =	sld [smem:$0x3FC8];
	(tm) =	ssettm $0x1  }
0x9: {  	s19 =	sld [smem:$0x3FFB];
	_ =	sdelay $0x3  }
0xa: {  	_ =	strace s19  }
0xb: {  	s3 =	sld [smem:$0x3FFC];
	_ =	sdelay $0x3  }
0xc: {  	_ =	strace s3  }
0xd: {  	s3 =	sld [smem:$0x3FFD];
	_ =	sdelay $0x3  }
0xe: {  	_ =	strace s3  }
0xf: {  	_ =	strace $0x8FFFFFFF  }
0x10: {  	s20 =	sld [smem:$0x3FDB];
	_ =	sdelay $0x1  }
0x11: {  	s4 =	simm.s32 $_scs_section_size  }
0x12: {  	s5 =	simm.s32 $_size__tile_overlayer_lowered;
	s6 =	simm.s32 $_tile_overlayer_lowered  }
0x13: {  	s23 =	simm.s32 $0x1BFF;
	s22 =	sshll.u32 s6, $0x1;
	s3 =	sadd.s32 s4, s20  }
0x14: {  	s7 =	simm.s32 $0x0;
	s21 =	sshll.u32 s5, $0x1;
	s5 =	sadd.s32 s22, s3  }
0x15: {  	[timem:s7], [sflag:s23] =	dma.local [hbm:s5], s21  }
0x16: {  	_ =	swait.ge [sflag:s23], s21  }
0x17: {  	s4 =	ssub.s32 $0x0, s21;
	[sflag:s23] =	ssyncset.done $0x0  }
0x18: {  	[sflag:s23] =	ssyncadd.s32 s4;
	_ =	sdelay $0x1  }
0x19: {  	s24 =	simm.s32 $0x1B8B  }
0x1a: {  	_ =	swait.ge [sflag:s24], $0x1  }
0x1b: {  	[sflag:s24] =	ssyncset.done $0x0  }
0x1c: {  	s26 =	simm.s32 $0x1B8E;
	s25 =	sld [smem:$0x3FFE];
	[sflag:s24] =	ssyncadd.s32 $0xFFFFFFFF  }
0x1d: {  	s27 =	simm.s32 $execute0_lowered;
	[smem:$0x3FD2] =	sst s26  }
0x1e: {  	s5 =	sshll.u32 s27, $0x1;
	_ =	strace $0x80000046;
	[dreg:$0x1] =	wrdreg $0xFFFFFFFF  }
0x1f: {  	s28 =	simm.s32 $_size_execute0_lowered;
	s3 =	sadd.s32 s3, s5;
	[dreg:$0x0] =	wrdreg $0x0  }
0x20: {  	s5 =	sshll.u32 s28, $0x1;
	[dreg:$0x2] =	wrdreg s3  }
0x21: {  	[dreg:$0x3] =	wrdreg s5  }
0x22: {  	[dreg:$0x4] =	wrdreg $0xC0  }
0x23: {  	_ =	task [dreg:s7], $0x5FFFF  }
0x24: {  	[dreg:$0x1] =	wrdreg $0xFFFFFFFF  }
0x25: {  	[dreg:$0x0] =	wrdreg $0x60  }
0x26: {  	[dreg:$0x2] =	wrdreg s2  }
0x27: {  	[dreg:$0x3] =	wrdreg s25  }
0x28: {  	[dreg:$0x4] =	wrdreg $0x9  }
0x29: {  	_ =	task.clear_ibuf [dreg:s7], $0x5FFFF;
	_ =	strace $0x90000046  }
0x2a: {  	s29 =	simm.s32 $0x9;
	_ =	strace $0x80000048  }
0x2b: {  	_ =	swait.ge [sflag:s29], $0x1  }
0x2c: {  	[sflag:s29] =	ssyncadd.s32 $0xFFFFFFFF  }
0x2d: {  	_ =	strace $0x90000048  }
0x2e: {  	_ =	sfence  }
0x2f: {  	s30 =	sld [smem:$0x0];
	_ =	sdelay $0x2  }
0x30: {  	s31 =	sshll.u32 s1, $0xD;
	s1 =	sshrl.u32 s1, $0x2  }
0x31: {  	s3 =	sand.u32 $0x4000, s31;
	s1 =	sadd.s32 s1, s30  }
0x32: {  	s0 =	sor.u32 s3, s0;
	s1 =	sshll.u32 s1, $0x11  }
0x33: {  	s0 =	sor.u32 s1, s0  }
0x34: {  	s0 =	sadd.s32 $0x8F2B, s0  }
0x35: {  	[sflag:s0] =	ssyncadd.remote.s32 $0x1  }
0x36: {  	_ =	sfence.sel $0xFFFF  }
0x37: {  	[dreg:$0x0] =	wrdreg $0xFFFFFFFF;
	(pc) =	sbr.abs _section_cstart, $3  }
0x38: {  	[dreg:$0x1] =	wrdreg $0xFFFFFFFF  }
0x39: {  	_ =	task.clear_ibuf [dreg:s7], $0x2FFFF;
	_ =	strace $0x9FFFFFFF  }
0x3a: {  	(tm) =	ssettm $0x7FFFFFFF  }
0x3b: {  	_ =	shalt  }
tec
execute0_lowered:
.L_overlay_start_1:
0x0: {  	(tag) =	ssettag $0x1  }
0x1: {  	s2 =	rddreg [dreg:$0x0]  }
0x2: {  	s1 =	rddreg [dreg:$0x1]  }
0x3: {  	s0 =	rddreg [dreg:$0x2];
	_ =	strace $0x80000047;
	s4 =	srdreg.scid  }
.Ltmp0:
0x4: {  	s6 =	simm.s32 $0x2;
	p0 =	por $0x0, $0x0;
	(pc) =	sbr.rel .LBB1_1-.Ltmp0, $4  }
0x5: {  	s9 =	simm.s32 $0x0;
	s3 =	sadd.s32 $0xC00, s1;
	s5 =	sshll.u32 s4, $0x4  }
0x6: {  	s1 =	stileid.u32;
	s4 =	simm.s32 $0x1;
	s5 =	sand.u32 $0x10, s5  }
0x7: {  	s7 =	simm.s32 $0x0;
	[sflag:s4] =	ssyncpa.u1 $0x0;
	s5 =	sor.u32 s1, s5  }
0x8: {  	[sflag:s6] =	ssyncpa.u1 $0x0;
	s6 =	simm.s32 $0x0;
	s8 =	smov.u32 s5  }
.LBB1_7:
0x9: {  	s11 =	sadd.s32 $0x20, s8  }
0xa: {  	p1 =	slt.u32 s7, $0x2;
	s7 =	sadd.s32 $0x1, s7;
	p2 =	sgt.s32 s11, $0x3FF  }
0xb: {  	s11 =	smov.u32 @p2 s5;
	p2 =	sne.s32 s7, $0x22  }
.Ltmp1:
0xc: {  	_ = 	snop;
	(pc) =	sbr.rel @!p2 .LBB1_8-.Ltmp1, $4  }
0xd: {  	s10 =	simm.s32 @!p1 $0x2  }
0xe: {  	_ =	swait.ge @!p1 [sflag:s10], $0x4000  }
0xf: {  	s9 =	smov.u32 s8;
	[sflag:s10] =	ssyncset.done @!p1 $0x0  }
0x10: {  	p0 =	por !p0, !p0;
	s8 =	smov.u32 s11;
	[sflag:s10] =	ssyncadd.s32 @!p1 $0xFFFFC000  }
.LBB1_1:
0x11: {  	p1 =	sgt.u32 s7, $0x1F  }
0x12: {  	s10 =	sxor.u32 @!p1 $0xFFFFFFFF, s7  }
0x13: {  	s11 =	sshll.u32 @!p1 s8, $0xB;
	s10 =	sshll.u32 @!p1 s10, $0xE  }
0x14: {  	s12 =	simm.s32 @!p1 $0x0;
	s11 =	sadd.s32 @!p1 s2, s11;
	s10 =	sand.u32 @!p1 $0x4000, s10  }
0x15: {  	[tilespmem:s10], [sflag:$0x1] =	stream.linear.gather @!p1 [hbm4b:s11+s12], $0x4000, $0x38;
	[tilespmem:$0x10000] =	vst v63  }
0x16: {  	p1 =	seq.s32 s7, $0x0  }
0x17: {  	p2 =	seq.s32 @!p1 s7, $0x21  }
0x18: {  	p1 =	por p1, p2  }
.Ltmp2:
0x19: {  	_ = 	snop;
	(pc) =	sbr.rel @p1 .LBB1_7-.Ltmp2, $1  }
0x1a: {  	_ =	sdelay $0x3  }
0x1b: {  	s10 =	simm.s32 $0x1;
	_ =	swait.ge [sflag:s4], $0x4000;
	s12 =	sshll.u32 s7, $0xE  }
0x1c: {  	s13 =	simm.s32 $0x0;
	s10 =	simm.s32 @!p0 $0x0;
	[sflag:s4] =	ssyncset.done $0x0  }
0x1d: {  	s12 =	sand.u32 $0x4000, s12;
	s11 =	sshll.u32 s10, $0xE;
	[sflag:s4] =	ssyncadd.s32 $0xFFFFC000  }
0x1e: {  	s12 =	sor.u32 $0x8000, s12;
	s10 =	sor.u32 $0x8040, s11;
	s11 =	sor.u32 $0x40, s11  }
.LBB1_3:
0x1f: {  	v0 =	vmov s11;
	_ =	sdelay $0x3  }
0x20: {  	s15 =	simm.s32 $0x0  }
0x21: {  	v6 =	vld.idx.msk [tilespmem:v0+s15+$0x30 ss:$0x1], $0xffff  }
0x22: {  	v7 =	vld.idx.msk [tilespmem:v0+s15+$0xFFFFFFC0 ss:$0x1], $0xffff  }
0x23: {  	v5 =	vld.idx.msk [tilespmem:v0+s15+$0xFFFFFFD0 ss:$0x1], $0xffff  }
0x24: {  	v4 =	vld.idx.msk [tilespmem:v0+s15+$0xFFFFFFE0 ss:$0x1], $0xffff  }
0x25: {  	v3 =	vld.idx.msk [tilespmem:v0+s15+$0xFFFFFFF0 ss:$0x1], $0xffff  }
0x26: {  	v1 =	vld.idx.msk [tilespmem:v0+s15+$0x0 ss:$0x1], $0xffff  }
0x27: {  	v2 =	vld.idx.msk [tilespmem:v0+s15+$0x10 ss:$0x1], $0xffff;
	[tilespmem:s10+$0x30] =	vst v6  }
0x28: {  	s14 =	simm.s32 $0x80;
	s16 =	simm.s32 $0x400;
	[tilespmem:s10+$0xFFFFFFC0] =	vst v7;
	v6 =	vld.idx.msk [tilespmem:v0+s15+$0x20 ss:$0x1], $0xffff;
	s15 =	smov.u32 s10  }
.LBB1_4:
0x29: {  	p1 =	sne.s32 s16, $0xE00;
	v7 =	vld.idx.msk [tilespmem:v0+s14+$0x30 ss:$0x1], $0xffff;
	[tilespmem:s15+$0xFFFFFFD0] =	vst v5  }
0x2a: {  	v8 =	vld.idx.msk [tilespmem:v0+s14+$0xFFFFFFC0 ss:$0x1], $0xffff;
	[tilespmem:s15+$0xFFFFFFE0] =	vst v4  }
0x2b: {  	v5 =	vld.idx.msk [tilespmem:v0+s14+$0xFFFFFFD0 ss:$0x1], $0xffff;
	[tilespmem:s15+$0xFFFFFFF0] =	vst v3  }
.Ltmp3:
0x2c: {  	v4 =	vld.idx.msk [tilespmem:v0+s14+$0xFFFFFFE0 ss:$0x1], $0xffff;
	[tilespmem:s15+$0x0] =	vst v1;
	(pc) =	sbr.rel @p1 .LBB1_4-.Ltmp3, $4  }
0x2d: {  	v3 =	vld.idx.msk [tilespmem:v0+s14+$0xFFFFFFF0 ss:$0x1], $0xffff;
	[tilespmem:s15+$0x10] =	vst v2  }
0x2e: {  	v1 =	vld.idx.msk [tilespmem:v0+s14+$0x0 ss:$0x1], $0xffff;
	[tilespmem:s15+$0x20] =	vst v6;
	s15 =	sadd.s32 $0x800, s15  }
0x2f: {  	v2 =	vld.idx.msk [tilespmem:v0+s14+$0x10 ss:$0x1], $0xffff;
	[tilespmem:s15+$0x30] =	vst v7  }
0x30: {  	[tilespmem:s15+$0xFFFFFFC0] =	vst v8;
	v6 =	vld.idx.msk [tilespmem:v0+s14+$0x20 ss:$0x1], $0xffff;
	s14 =	sshra.s32 s16, $0x2;
	s16 =	sadd.s32 $0x200, s16  }
0x31: {  	_ =	sdelay $0x2  }
0x32: {  	[tilespmem:s15+$0xFFFFFFD0] =	vst v5  }
0x33: {  	v56 =	vld.idx.msk [tilespmem:v0+s14+$0x30 ss:$0x1], $0xffff;
	[tilespmem:s15+$0xFFFFFFE0] =	vst v4  }
0x34: {  	v57 =	vld.idx.msk [tilespmem:v0+s14+$0xFFFFFFC0 ss:$0x1], $0xffff;
	[tilespmem:s15+$0xFFFFFFF0] =	vst v3  }
0x35: {  	v58 =	vld.idx.msk [tilespmem:v0+s14+$0xFFFFFFD0 ss:$0x1], $0xffff;
	[tilespmem:s15+$0x0] =	vst v1  }
0x36: {  	v59 =	vld.idx.msk [tilespmem:v0+s14+$0xFFFFFFE0 ss:$0x1], $0xffff;
	[tilespmem:s15+$0x10] =	vst v2  }
0x37: {  	v60 =	vld.idx.msk [tilespmem:v0+s14+$0xFFFFFFF0 ss:$0x1], $0xffff;
	s31 =	sadd.s32 $0x800, s15;
	[tilespmem:s15+$0x20] =	vst v6  }
0x38: {  	v61 =	vld.idx.msk [tilespmem:v0+s14+$0x0 ss:$0x1], $0xffff;
	[tilespmem:s31+$0x30] =	vst v56  }
0x39: {  	v62 =	vld.idx.msk [tilespmem:v0+s14+$0x10 ss:$0x1], $0xffff;
	s13 =	sadd.s32 $0x1, s13;
	[tilespmem:s31+$0xFFFFFFC0] =	vst v57  }
0x3a: {  	v63 =	vld.idx.msk [tilespmem:v0+s14+$0x20 ss:$0x1], $0xffff;
	p1 =	sne.s32 s13, $0x10;
	[tilespmem:s31+$0xFFFFFFD0] =	vst v58  }
.Ltmp4:
0x3b: {  	[tilespmem:s31+$0xFFFFFFE0] =	vst v59;
	(pc) =	sbr.rel @p1 .LBB1_3-.Ltmp4, $4  }
0x3c: {  	[tilespmem:s31+$0xFFFFFFF0] =	vst v60  }
0x3d: {  	[tilespmem:s31+$0x0] =	vst v61  }
0x3e: {  	[tilespmem:s31+$0x10] =	vst v62  }
0x3f: {  	s10 =	sadd.s32 $0x80, s10;
	s11 =	sadd.s32 $0x400, s11;
	[tilespmem:s31+$0x20] =	vst v63  }
.Ltmp5:
0x40: {  	(pc) =	sbr.rel .LBB1_7-.Ltmp5, $4  }
0x41: {  	_ = 	snop  }
0x42: {  	s9 =	sshll.u32 s9, $0xB  }
0x43: {  	s9 =	sadd.s32 s3, s9  }
0x44: {  	[hbm4b:s9+s6] =	stream.linear.scatter [tilespmem:s12], [sflag:$0x2], $0x4000, $0x38;
	[tilespmem:$0x10000] =	vst v63  }
.LBB1_8:
0x45: {  	_ =	sfence.sel $0x180000  }
0x46: {  	s2 =	simm.s32 $0x1;
	[bflag:$0x0] =	sbarrier.arrive $0xFFFF  }
0x47: {  	s31 =	simm.s32 $0x2;
	[sflag:s2] =	ssyncpa.u1 $0x1  }
0x48: {  	[sflag:s31] =	ssyncpa.u1 $0x1  }
0x49: {  	p0 =	sne.s32 s1, $0x0;
	_ =	strace $0x90000047  }
0x4a: {  	s0 =	sadd.s32 @!p0 $0x100000, s0;
	[bflag:$0x2] =	sbarrier.arrive $0xFFFF  }
0x4b: {  	[sflag:s0] =	ssyncadd.tile.s32 @!p0 $0x1;
	_ =	shalt  }
.Lfunc_end1:
_tile_overlayer_lowered:
.L_overlay_start_2:
0x4c: {  	(tag) =	ssettag $0x2  }
0x4d: {  	s0 =	rddreg [dreg:$0x0];
	s2 =	stileid.u32  }
0x4e: {  	s1 =	rddreg [dreg:$0x1];
	p0 =	sne.s32 s2, $0x0  }
0x4f: {  	s3 =	rddreg [dreg:$0x2];
	[bflag:$0x3] =	sbarrier.arrive $0xFFFF;
	s2 =	simm.s32 @!p0 $0x1C01  }
0x50: {  	[timem:s3], [sflag:s2] =	dma.local @!p0 [hbm:s0], s1  }
0x51: {  	s0 =	simm.s32 @!p0 $0x1  }
0x52: {  	_ =	swait.ge @!p0 [sflag:s0], s1  }
0x53: {  	s1 =	ssub.s32 @!p0 $0x0, s1;
	[sflag:s0] =	ssyncset.done @!p0 $0x0  }
0x54: {  	[sflag:s0] =	ssyncadd.s32 @!p0 s1  }
0x55: {  	[bflag:$0x3] =	sbarrier.arrive $0xFFFF  }
0x56: {  	_ =	shalt  }

</sc_bundles>
